<compile_context>
chip_gen: v7x
topology: tpu7x:2x2x1
jax: 0.10.2.dev20260603
libtpu: 0.0.44.dev20260713+nightly
codegen_flags: <defaults>
</compile_context>

<pallas_src>
import functools

import jax
import jax.numpy as jnp
from jax import lax
from jax.experimental import pallas as pl
from jax.experimental.pallas import tpu as pltpu
from jax.experimental.pallas import tpu_sc as plsc

_B = 16384
_C = 128
_F = 512
_NC = 2
_NS = 16
_NW = _NC * _NS
_RPW = _B // _NW
_TILE_R = 64
_NT = _RPW // _TILE_R
_NPAIR = _NT // 2
_LANES = 16
_GROUPS = _C // _LANES

_mesh = plsc.VectorSubcoreMesh(core_axis_name="c", subcore_axis_name="s")


@functools.partial(
    pl.kernel,
    mesh=_mesh,
    out_type=jax.ShapeDtypeStruct((_B * _F,), jnp.float32),
    compiler_params=pltpu.CompilerParams(needs_layout_passes=False),
    scratch_types=[
        pltpu.VMEM((_C,), jnp.int32),
        pltpu.VMEM((_TILE_R * _C,), jnp.float32),
        pltpu.VMEM((_TILE_R * _C,), jnp.float32),
        pltpu.VMEM((_TILE_R * _F,), jnp.float32),
        pltpu.VMEM((_TILE_R * _F,), jnp.float32),
        pltpu.SemaphoreType.DMA,
        pltpu.SemaphoreType.DMA,
        pltpu.SemaphoreType.DMA,
        pltpu.SemaphoreType.DMA,
    ],
)
def _scatter_kernel(x_hbm, sel_hbm, out_hbm, sel_v, x_v0, x_v1, o_v0, o_v1,
                    sx0, sx1, so0, so1):
    wid = lax.axis_index("s") * _NC + lax.axis_index("c")
    base = wid * _RPW

    def _x_slice(t):
        return x_hbm.at[pl.ds((base + t * _TILE_R) * _C, _TILE_R * _C)]

    def _o_slice(t):
        return out_hbm.at[pl.ds((base + t * _TILE_R) * _F, _TILE_R * _F)]

    pltpu.async_copy(_x_slice(0), x_v0, sx0)
    pltpu.async_copy(_x_slice(1), x_v1, sx1)

    pltpu.sync_copy(sel_hbm, sel_v)

    zeros = jnp.zeros((_LANES,), jnp.float32)

    def _zero_buf(o_ref):
        @plsc.parallel_loop(0, _TILE_R * _F // _LANES, unroll=8)
        def _zero_chunk(i):
            o_ref[pl.ds(i * _LANES, _LANES)] = zeros

    sel_groups = [sel_v[pl.ds(g * _LANES, _LANES)] for g in range(_GROUPS)]

    def _scatter_tile(x_ref, o_ref):
        @plsc.parallel_loop(0, _TILE_R, unroll=8)
        def _row(r):
            rbase = jnp.full((_LANES,), r * _F, jnp.int32)
            for g in range(_GROUPS):
                v = x_ref[pl.ds(r * _C + g * _LANES, _LANES)]
                plsc.store_scatter(o_ref, [sel_groups[g] + rbase], v)

    _zero_buf(o_v0)
    pltpu.make_async_copy(_x_slice(0), x_v0, sx0).wait()
    _scatter_tile(x_v0, o_v0)
    pltpu.async_copy(o_v0, _o_slice(0), so0)
    pltpu.async_copy(_x_slice(2), x_v0, sx0)

    _zero_buf(o_v1)
    pltpu.make_async_copy(_x_slice(1), x_v1, sx1).wait()
    _scatter_tile(x_v1, o_v1)
    pltpu.async_copy(o_v1, _o_slice(1), so1)
    pltpu.async_copy(_x_slice(3), x_v1, sx1)

    def _pair(i, carry):
        t0 = 2 * i
        pltpu.make_async_copy(_x_slice(t0), x_v0, sx0).wait()
        pltpu.make_async_copy(o_v0, _o_slice(t0), so0).wait()
        _scatter_tile(x_v0, o_v0)
        pltpu.async_copy(o_v0, _o_slice(t0), so0)

        @pl.when(i < _NPAIR - 1)
        def _refill_x0():
            pltpu.async_copy(_x_slice(t0 + 2), x_v0, sx0)

        pltpu.make_async_copy(_x_slice(t0 + 1), x_v1, sx1).wait()
        pltpu.make_async_copy(o_v1, _o_slice(t0 + 1), so1).wait()
        _scatter_tile(x_v1, o_v1)
        pltpu.async_copy(o_v1, _o_slice(t0 + 1), so1)

        @pl.when(i < _NPAIR - 1)
        def _refill_x1():
            pltpu.async_copy(_x_slice(t0 + 3), x_v1, sx1)

        return carry

    lax.fori_loop(1, _NPAIR, _pair, 0)

    pltpu.make_async_copy(o_v0, _o_slice(0), so0).wait()
    pltpu.make_async_copy(o_v1, _o_slice(1), so1).wait()


def kernel(x, sel):
    out_flat = _scatter_kernel(x.reshape(_B * _C), sel)
    return out_flat.reshape(_B, _F)

# --- scband reference (transcript-rebuilt; emitter-appended) ---
"""Pipeline reference for scband-re-up-scale-layer-26147760898365 (READ-ONLY COPY).

The authoritative reference and input builder live on the scoring server;
editing this copy changes nothing except your own understanding.
"""

import jax, jax.numpy as jnp
import numpy as np

NUM_FEATURES_OUT = 512
BATCH = 16384
C_IN = 128

def setup_inputs(seed: int = 0) -> dict:
    key = jax.random.key(seed)
    kx, = jax.random.split(key, 1)
    x = jax.random.normal(kx, (BATCH, C_IN), dtype=jnp.float32)
    # sel: channel indices selecting where each input channel lands in the
    # num_features_out-wide output (arange -> values 0..C_IN-1, all < NUM_FEATURES_OUT)
    sel = jnp.arange(C_IN, dtype=jnp.int32)
    return {"x": x, "sel": sel}

def reference(x, sel):
    # Faithful translation of ReUpScaleLayer.forward with self.sel set (non-None path):
    #   out = zeros_like(x[:, :1]) tiled to [B, num_features_out]
    #   out[:, sel] += x
    out = jnp.zeros((x.shape[0], NUM_FEATURES_OUT), dtype=x.dtype)
    out = out.at[:, sel].add(x)
    return out

if __name__ == "__main__":
    import jax
    _d = setup_inputs()
    print(jax.jit(kernel)(*tuple(_d.values())))

</pallas_src>

<mosaic_0001>
#map = affine_map<(d0, d1) -> (0)>
module attributes {stable_mosaic.version = 14 : i64} {
  func.func @_scatter_kernel(%arg0: i32, %arg1: i32, %arg2: memref<2097152xf32, #tpu.memory_space<hbm>>, %arg3: memref<128xi32, #tpu.memory_space<hbm>>, %arg4: memref<8388608xf32, #tpu.memory_space<hbm>>, %arg5: memref<128xi32, #tpu.memory_space<vmem>>, %arg6: memref<8192xf32, #tpu.memory_space<vmem>>, %arg7: memref<8192xf32, #tpu.memory_space<vmem>>, %arg8: memref<32768xf32, #tpu.memory_space<vmem>>, %arg9: memref<32768xf32, #tpu.memory_space<vmem>>, %arg10: memref<!tpu.dma_semaphore, #tpu.memory_space<semaphore_mem>>, %arg11: memref<!tpu.dma_semaphore, #tpu.memory_space<semaphore_mem>>, %arg12: memref<!tpu.dma_semaphore, #tpu.memory_space<semaphore_mem>>, %arg13: memref<!tpu.dma_semaphore, #tpu.memory_space<semaphore_mem>>) attributes {dimension_semantics = [#tpu.dimension_semantics<core_parallel>, #tpu.dimension_semantics<subcore_parallel>], iteration_bounds = array<i64: 2, 16>, scalar_prefetch = 0 : i64, scratch_operands = 9 : i64, tpu.core_type = #tpu.core_type<sc_vector_subcore>, window_params = [{transform_indices = #map}, {transform_indices = #map}, {transform_indices = #map}]} {
    %mul3A = arith.constant 2 : i32
    %mul3A_0 = arith.muli %arg1, %mul3A : i32
    %add3A = arith.addi %mul3A_0, %arg0 : i32
    %mul3A_1 = arith.constant 512 : i32
    %mul3A_2 = arith.muli %add3A, %mul3A_1 : i32
    %add3A_3 = arith.constant 0 : i32
    %add3A_4 = arith.addi %mul3A_2, %add3A_3 : i32
    %mul3A_5 = arith.constant 128 : i32
    %mul3A_6 = arith.muli %add3A_4, %mul3A_5 : i32
    %dma_start3A = tpu.memref_slice %arg2[%mul3A_6] : memref<2097152xf32, #tpu.memory_space<hbm>> -> memref<8192xf32, #tpu.memory_space<hbm>>
    %dma_start3A_7 = tpu.memref_slice %arg2[%mul3A_6] : memref<2097152xf32, #tpu.memory_space<hbm>> -> memref<8192xf32, #tpu.memory_space<hbm>>
    tpu.enqueue_dma source(%dma_start3A_7 : memref<8192xf32, #tpu.memory_space<hbm>>) target(%arg6 : memref<8192xf32, #tpu.memory_space<vmem>>) target_semaphore(%arg10 : memref<!tpu.dma_semaphore, #tpu.memory_space<semaphore_mem>>)
    %add3A_8 = arith.constant 64 : i32
    %add3A_9 = arith.addi %mul3A_2, %add3A_8 : i32
    %mul3A_10 = arith.constant 128 : i32
    %mul3A_11 = arith.muli %add3A_9, %mul3A_10 : i32
    %dma_start3A_12 = tpu.memref_slice %arg2[%mul3A_11] : memref<2097152xf32, #tpu.memory_space<hbm>> -> memref<8192xf32, #tpu.memory_space<hbm>>
    %dma_start3A_13 = tpu.memref_slice %arg2[%mul3A_11] : memref<2097152xf32, #tpu.memory_space<hbm>> -> memref<8192xf32, #tpu.memory_space<hbm>>
    tpu.enqueue_dma source(%dma_start3A_13 : memref<8192xf32, #tpu.memory_space<hbm>>) target(%arg7 : memref<8192xf32, #tpu.memory_space<vmem>>) target_semaphore(%arg11 : memref<!tpu.dma_semaphore, #tpu.memory_space<semaphore_mem>>)
    "tpu.region"() ({
      %run_scoped3A = tpu.sem_alloc : memref<!tpu.dma_semaphore, #tpu.memory_space<semaphore_mem>>
      tpu.enqueue_dma source(%arg3 : memref<128xi32, #tpu.memory_space<hbm>>) target(%arg5 : memref<128xi32, #tpu.memory_space<vmem>>) target_semaphore(%run_scoped3A : memref<!tpu.dma_semaphore, #tpu.memory_space<semaphore_mem>>)
      tpu.wait_dma2 semaphore(%run_scoped3A : memref<!tpu.dma_semaphore, #tpu.memory_space<semaphore_mem>>) src(%arg3 : memref<128xi32, #tpu.memory_space<hbm>>) dst(%arg5 : memref<128xi32, #tpu.memory_space<vmem>>)
      tpu.yield
    }) : () -> ()
    %broadcast_in_dim3A = arith.constant 0.000000e+00 : f32
    %broadcast_in_dim3A_14 = vector.broadcast %broadcast_in_dim3A : f32 to vector<16xf32>
    %get3A = arith.constant 0 : index
    %get3A_15 = tpu.vector_load %arg5[%get3A] {strides = array<i32>} : memref<128xi32, #tpu.memory_space<vmem>>, vector<16xi32>,
    %get3A_16 = arith.constant 16 : index
    %get3A_17 = tpu.vector_load %arg5[%get3A_16] {strides = array<i32>} : memref<128xi32, #tpu.memory_space<vmem>>, vector<16xi32>,
    %get3A_18 = arith.constant 32 : index
    %get3A_19 = tpu.vector_load %arg5[%get3A_18] {strides = array<i32>} : memref<128xi32, #tpu.memory_space<vmem>>, vector<16xi32>,
    %get3A_20 = arith.constant 48 : index
    %get3A_21 = tpu.vector_load %arg5[%get3A_20] {strides = array<i32>} : memref<128xi32, #tpu.memory_space<vmem>>, vector<16xi32>,
    %get3A_22 = arith.constant 64 : index
    %get3A_23 = tpu.vector_load %arg5[%get3A_22] {strides = array<i32>} : memref<128xi32, #tpu.memory_space<vmem>>, vector<16xi32>,
    %get3A_24 = arith.constant 80 : index
    %get3A_25 = tpu.vector_load %arg5[%get3A_24] {strides = array<i32>} : memref<128xi32, #tpu.memory_space<vmem>>, vector<16xi32>,
    %get3A_26 = arith.constant 96 : index
    %get3A_27 = tpu.vector_load %arg5[%get3A_26] {strides = array<i32>} : memref<128xi32, #tpu.memory_space<vmem>>, vector<16xi32>,
    %get3A_28 = arith.constant 112 : index
    %get3A_29 = tpu.vector_load %arg5[%get3A_28] {strides = array<i32>} : memref<128xi32, #tpu.memory_space<vmem>>, vector<16xi32>,
    %parallel_loop3A = arith.constant 0 : i32
    %parallel_loop3A_30 = arith.constant 2048 : i32
    %parallel_loop3A_31 = arith.constant 1 : i32
    scf.for %parallel_loop3A_93 = %parallel_loop3A to %parallel_loop3A_30 step %parallel_loop3A_31  : i32 {
      %parallel_loop3A_94 = arith.constant 16 : i32
      %parallel_loop3A_95 = arith.muli %parallel_loop3A_93, %parallel_loop3A_94 : i32
      %parallel_loop3A_96 = arith.index_cast %parallel_loop3A_95 : i32 to index
      %parallel_loop3A_97 = tpu.vector_load %arg8[%parallel_loop3A_96] {strides = array<i32>} : memref<32768xf32, #tpu.memory_space<vmem>>, vector<16xf32>,
      tpu.vector_store %arg8[%parallel_loop3A_96], %broadcast_in_dim3A_14 {strides = array<i32>} : memref<32768xf32, #tpu.memory_space<vmem>>, vector<16xf32>,
    } {sc.loop_unroll_factor = 8 : i64, sc.parallel_access}
    %add3A_32 = arith.constant 0 : i32
    %add3A_33 = arith.addi %mul3A_2, %add3A_32 : i32
    %mul3A_34 = arith.constant 128 : i32
    %mul3A_35 = arith.muli %add3A_33, %mul3A_34 : i32
    %dma_wait3A = tpu.memref_slice %arg2[%mul3A_35] : memref<2097152xf32, #tpu.memory_space<hbm>> -> memref<8192xf32, #tpu.memory_space<hbm>>
    %dma_wait3A_36 = tpu.memref_slice %arg2[%mul3A_35] : memref<2097152xf32, #tpu.memory_space<hbm>> -> memref<8192xf32, #tpu.memory_space<hbm>>
    tpu.wait_dma2 semaphore(%arg10 : memref<!tpu.dma_semaphore, #tpu.memory_space<semaphore_mem>>) src(%dma_wait3A_36 : memref<8192xf32, #tpu.memory_space<hbm>>) dst(%arg6 : memref<8192xf32, #tpu.memory_space<vmem>>)
    %parallel_loop3A_37 = arith.constant 0 : i32
    %parallel_loop3A_38 = arith.constant 64 : i32
    %parallel_loop3A_39 = arith.constant 1 : i32
    scf.for %parallel_loop3A_93 = %parallel_loop3A_37 to %parallel_loop3A_38 step %parallel_loop3A_39  : i32 {
      %parallel_loop3A_94 = arith.constant 512 : i32
      %parallel_loop3A_95 = arith.muli %parallel_loop3A_93, %parallel_loop3A_94 : i32
      %parallel_loop3A_96 = vector.broadcast %parallel_loop3A_95 : i32 to vector<16xi32>
      %parallel_loop3A_97 = arith.constant 128 : i32
      %parallel_loop3A_98 = arith.muli %parallel_loop3A_93, %parallel_loop3A_97 : i32
      %parallel_loop3A_99 = arith.constant 0 : i32
      %parallel_loop3A_100 = arith.addi %parallel_loop3A_98, %parallel_loop3A_99 : i32
      %parallel_loop3A_101 = arith.index_cast %parallel_loop3A_100 : i32 to index
      %parallel_loop3A_102 = tpu.vector_load %arg6[%parallel_loop3A_101] {strides = array<i32>} : memref<8192xf32, #tpu.memory_space<vmem>>, vector<16xf32>,
      %parallel_loop3A_103 = arith.addi %get3A_15, %parallel_loop3A_96 : vector<16xi32>
      tpu.vector_store_idx %arg8[%parallel_loop3A_103], %parallel_loop3A_102 : memref<32768xf32, #tpu.memory_space<vmem>>[vector<16xi32>], vector<16xf32>,
      %parallel_loop3A_104 = arith.constant 128 : i32
      %parallel_loop3A_105 = arith.muli %parallel_loop3A_93, %parallel_loop3A_104 : i32
      %parallel_loop3A_106 = arith.constant 16 : i32
      %parallel_loop3A_107 = arith.addi %parallel_loop3A_105, %parallel_loop3A_106 : i32
      %parallel_loop3A_108 = arith.index_cast %parallel_loop3A_107 : i32 to index
      %parallel_loop3A_109 = tpu.vector_load %arg6[%parallel_loop3A_108] {strides = array<i32>} : memref<8192xf32, #tpu.memory_space<vmem>>, vector<16xf32>,
      %parallel_loop3A_110 = arith.addi %get3A_17, %parallel_loop3A_96 : vector<16xi32>
      tpu.vector_store_idx %arg8[%parallel_loop3A_110], %parallel_loop3A_109 : memref<32768xf32, #tpu.memory_space<vmem>>[vector<16xi32>], vector<16xf32>,
      %parallel_loop3A_111 = arith.constant 128 : i32
      %parallel_loop3A_112 = arith.muli %parallel_loop3A_93, %parallel_loop3A_111 : i32
      %parallel_loop3A_113 = arith.constant 32 : i32
      %parallel_loop3A_114 = arith.addi %parallel_loop3A_112, %parallel_loop3A_113 : i32
      %parallel_loop3A_115 = arith.index_cast %parallel_loop3A_114 : i32 to index
      %parallel_loop3A_116 = tpu.vector_load %arg6[%parallel_loop3A_115] {strides = array<i32>} : memref<8192xf32, #tpu.memory_space<vmem>>, vector<16xf32>,
      %parallel_loop3A_117 = arith.addi %get3A_19, %parallel_loop3A_96 : vector<16xi32>
      tpu.vector_store_idx %arg8[%parallel_loop3A_117], %parallel_loop3A_116 : memref<32768xf32, #tpu.memory_space<vmem>>[vector<16xi32>], vector<16xf32>,
      %parallel_loop3A_118 = arith.constant 128 : i32
      %parallel_loop3A_119 = arith.muli %parallel_loop3A_93, %parallel_loop3A_118 : i32
      %parallel_loop3A_120 = arith.constant 48 : i32
      %parallel_loop3A_121 = arith.addi %parallel_loop3A_119, %parallel_loop3A_120 : i32
      %parallel_loop3A_122 = arith.index_cast %parallel_loop3A_121 : i32 to index
      %parallel_loop3A_123 = tpu.vector_load %arg6[%parallel_loop3A_122] {strides = array<i32>} : memref<8192xf32, #tpu.memory_space<vmem>>, vector<16xf32>,
      %parallel_loop3A_124 = arith.addi %get3A_21, %parallel_loop3A_96 : vector<16xi32>
      tpu.vector_store_idx %arg8[%parallel_loop3A_124], %parallel_loop3A_123 : memref<32768xf32, #tpu.memory_space<vmem>>[vector<16xi32>], vector<16xf32>,
      %parallel_loop3A_125 = arith.constant 128 : i32
      %parallel_loop3A_126 = arith.muli %parallel_loop3A_93, %parallel_loop3A_125 : i32
      %parallel_loop3A_127 = arith.constant 64 : i32
      %parallel_loop3A_128 = arith.addi %parallel_loop3A_126, %parallel_loop3A_127 : i32
      %parallel_loop3A_129 = arith.index_cast %parallel_loop3A_128 : i32 to index
      %parallel_loop3A_130 = tpu.vector_load %arg6[%parallel_loop3A_129] {strides = array<i32>} : memref<8192xf32, #tpu.memory_space<vmem>>, vector<16xf32>,
      %parallel_loop3A_131 = arith.addi %get3A_23, %parallel_loop3A_96 : vector<16xi32>
      tpu.vector_store_idx %arg8[%parallel_loop3A_131], %parallel_loop3A_130 : memref<32768xf32, #tpu.memory_space<vmem>>[vector<16xi32>], vector<16xf32>,
      %parallel_loop3A_132 = arith.constant 128 : i32
      %parallel_loop3A_133 = arith.muli %parallel_loop3A_93, %parallel_loop3A_132 : i32
      %parallel_loop3A_134 = arith.constant 80 : i32
      %parallel_loop3A_135 = arith.addi %parallel_loop3A_133, %parallel_loop3A_134 : i32
      %parallel_loop3A_136 = arith.index_cast %parallel_loop3A_135 : i32 to index
      %parallel_loop3A_137 = tpu.vector_load %arg6[%parallel_loop3A_136] {strides = array<i32>} : memref<8192xf32, #tpu.memory_space<vmem>>, vector<16xf32>,
      %parallel_loop3A_138 = arith.addi %get3A_25, %parallel_loop3A_96 : vector<16xi32>
      tpu.vector_store_idx %arg8[%parallel_loop3A_138], %parallel_loop3A_137 : memref<32768xf32, #tpu.memory_space<vmem>>[vector<16xi32>], vector<16xf32>,
      %parallel_loop3A_139 = arith.constant 128 : i32
      %parallel_loop3A_140 = arith.muli %parallel_loop3A_93, %parallel_loop3A_139 : i32
      %parallel_loop3A_141 = arith.constant 96 : i32
      %parallel_loop3A_142 = arith.addi %parallel_loop3A_140, %parallel_loop3A_141 : i32
      %parallel_loop3A_143 = arith.index_cast %parallel_loop3A_142 : i32 to index
      %parallel_loop3A_144 = tpu.vector_load %arg6[%parallel_loop3A_143] {strides = array<i32>} : memref<8192xf32, #tpu.memory_space<vmem>>, vector<16xf32>,
      %parallel_loop3A_145 = arith.addi %get3A_27, %parallel_loop3A_96 : vector<16xi32>
      tpu.vector_store_idx %arg8[%parallel_loop3A_145], %parallel_loop3A_144 : memref<32768xf32, #tpu.memory_space<vmem>>[vector<16xi32>], vector<16xf32>,
      %parallel_loop3A_146 = arith.constant 128 : i32
      %parallel_loop3A_147 = arith.muli %parallel_loop3A_93, %parallel_loop3A_146 : i32
      %parallel_loop3A_148 = arith.constant 112 : i32
      %parallel_loop3A_149 = arith.addi %parallel_loop3A_147, %parallel_loop3A_148 : i32
      %parallel_loop3A_150 = arith.index_cast %parallel_loop3A_149 : i32 to index
      %parallel_loop3A_151 = tpu.vector_load %arg6[%parallel_loop3A_150] {strides = array<i32>} : memref<8192xf32, #tpu.memory_space<vmem>>, vector<16xf32>,
      %parallel_loop3A_152 = arith.addi %get3A_29, %parallel_loop3A_96 : vector<16xi32>
      tpu.vector_store_idx %arg8[%parallel_loop3A_152], %parallel_loop3A_151 : memref<32768xf32, #tpu.memory_space<vmem>>[vector<16xi32>], vector<16xf32>,
    } {sc.loop_unroll_factor = 8 : i64, sc.parallel_access}
    %add3A_40 = arith.constant 0 : i32
    %add3A_41 = arith.addi %mul3A_2, %add3A_40 : i32
    %mul3A_42 = arith.constant 512 : i32
    %mul3A_43 = arith.muli %add3A_41, %mul3A_42 : i32
    %dma_start3A_44 = tpu.memref_slice %arg4[%mul3A_43] : memref<8388608xf32, #tpu.memory_space<hbm>> -> memref<32768xf32, #tpu.memory_space<hbm>>
    %dma_start3A_45 = tpu.memref_slice %arg4[%mul3A_43] : memref<8388608xf32, #tpu.memory_space<hbm>> -> memref<32768xf32, #tpu.memory_space<hbm>>
    tpu.enqueue_dma source(%arg8 : memref<32768xf32, #tpu.memory_space<vmem>>) target(%dma_start3A_45 : memref<32768xf32, #tpu.memory_space<hbm>>) target_semaphore(%arg12 : memref<!tpu.dma_semaphore, #tpu.memory_space<semaphore_mem>>)
    %add3A_46 = arith.constant 128 : i32
    %add3A_47 = arith.addi %mul3A_2, %add3A_46 : i32
    %mul3A_48 = arith.constant 128 : i32
    %mul3A_49 = arith.muli %add3A_47, %mul3A_48 : i32
    %dma_start3A_50 = tpu.memref_slice %arg2[%mul3A_49] : memref<2097152xf32, #tpu.memory_space<hbm>> -> memref<8192xf32, #tpu.memory_space<hbm>>
    %dma_start3A_51 = tpu.memref_slice %arg2[%mul3A_49] : memref<2097152xf32, #tpu.memory_space<hbm>> -> memref<8192xf32, #tpu.memory_space<hbm>>
    tpu.enqueue_dma source(%dma_start3A_51 : memref<8192xf32, #tpu.memory_space<hbm>>) target(%arg6 : memref<8192xf32, #tpu.memory_space<vmem>>) target_semaphore(%arg10 : memref<!tpu.dma_semaphore, #tpu.memory_space<semaphore_mem>>)
    %parallel_loop3A_52 = arith.constant 0 : i32
    %parallel_loop3A_53 = arith.constant 2048 : i32
    %parallel_loop3A_54 = arith.constant 1 : i32
    scf.for %parallel_loop3A_93 = %parallel_loop3A_52 to %parallel_loop3A_53 step %parallel_loop3A_54  : i32 {
      %parallel_loop3A_94 = arith.constant 16 : i32
      %parallel_loop3A_95 = arith.muli %parallel_loop3A_93, %parallel_loop3A_94 : i32
      %parallel_loop3A_96 = arith.index_cast %parallel_loop3A_95 : i32 to index
      %parallel_loop3A_97 = tpu.vector_load %arg9[%parallel_loop3A_96] {strides = array<i32>} : memref<32768xf32, #tpu.memory_space<vmem>>, vector<16xf32>,
      tpu.vector_store %arg9[%parallel_loop3A_96], %broadcast_in_dim3A_14 {strides = array<i32>} : memref<32768xf32, #tpu.memory_space<vmem>>, vector<16xf32>,
    } {sc.loop_unroll_factor = 8 : i64, sc.parallel_access}
    %add3A_55 = arith.constant 64 : i32
    %add3A_56 = arith.addi %mul3A_2, %add3A_55 : i32
    %mul3A_57 = arith.constant 128 : i32
    %mul3A_58 = arith.muli %add3A_56, %mul3A_57 : i32
    %dma_wait3A_59 = tpu.memref_slice %arg2[%mul3A_58] : memref<2097152xf32, #tpu.memory_space<hbm>> -> memref<8192xf32, #tpu.memory_space<hbm>>
    %dma_wait3A_60 = tpu.memref_slice %arg2[%mul3A_58] : memref<2097152xf32, #tpu.memory_space<hbm>> -> memref<8192xf32, #tpu.memory_space<hbm>>
    tpu.wait_dma2 semaphore(%arg11 : memref<!tpu.dma_semaphore, #tpu.memory_space<semaphore_mem>>) src(%dma_wait3A_60 : memref<8192xf32, #tpu.memory_space<hbm>>) dst(%arg7 : memref<8192xf32, #tpu.memory_space<vmem>>)
    %parallel_loop3A_61 = arith.constant 0 : i32
    %parallel_loop3A_62 = arith.constant 64 : i32
    %parallel_loop3A_63 = arith.constant 1 : i32
    scf.for %parallel_loop3A_93 = %parallel_loop3A_61 to %parallel_loop3A_62 step %parallel_loop3A_63  : i32 {
      %parallel_loop3A_94 = arith.constant 512 : i32
      %parallel_loop3A_95 = arith.muli %parallel_loop3A_93, %parallel_loop3A_94 : i32
      %parallel_loop3A_96 = vector.broadcast %parallel_loop3A_95 : i32 to vector<16xi32>
      %parallel_loop3A_97 = arith.constant 128 : i32
      %parallel_loop3A_98 = arith.muli %parallel_loop3A_93, %parallel_loop3A_97 : i32
      %parallel_loop3A_99 = arith.constant 0 : i32
      %parallel_loop3A_100 = arith.addi %parallel_loop3A_98, %parallel_loop3A_99 : i32
      %parallel_loop3A_101 = arith.index_cast %parallel_loop3A_100 : i32 to index
      %parallel_loop3A_102 = tpu.vector_load %arg7[%parallel_loop3A_101] {strides = array<i32>} : memref<8192xf32, #tpu.memory_space<vmem>>, vector<16xf32>,
      %parallel_loop3A_103 = arith.addi %get3A_15, %parallel_loop3A_96 : vector<16xi32>
      tpu.vector_store_idx %arg9[%parallel_loop3A_103], %parallel_loop3A_102 : memref<32768xf32, #tpu.memory_space<vmem>>[vector<16xi32>], vector<16xf32>,
      %parallel_loop3A_104 = arith.constant 128 : i32
      %parallel_loop3A_105 = arith.muli %parallel_loop3A_93, %parallel_loop3A_104 : i32
      %parallel_loop3A_106 = arith.constant 16 : i32
      %parallel_loop3A_107 = arith.addi %parallel_loop3A_105, %parallel_loop3A_106 : i32
      %parallel_loop3A_108 = arith.index_cast %parallel_loop3A_107 : i32 to index
      %parallel_loop3A_109 = tpu.vector_load %arg7[%parallel_loop3A_108] {strides = array<i32>} : memref<8192xf32, #tpu.memory_space<vmem>>, vector<16xf32>,
      %parallel_loop3A_110 = arith.addi %get3A_17, %parallel_loop3A_96 : vector<16xi32>
      tpu.vector_store_idx %arg9[%parallel_loop3A_110], %parallel_loop3A_109 : memref<32768xf32, #tpu.memory_space<vmem>>[vector<16xi32>], vector<16xf32>,
      %parallel_loop3A_111 = arith.constant 128 : i32
      %parallel_loop3A_112 = arith.muli %parallel_loop3A_93, %parallel_loop3A_111 : i32
      %parallel_loop3A_113 = arith.constant 32 : i32
      %parallel_loop3A_114 = arith.addi %parallel_loop3A_112, %parallel_loop3A_113 : i32
      %parallel_loop3A_115 = arith.index_cast %parallel_loop3A_114 : i32 to index
      %parallel_loop3A_116 = tpu.vector_load %arg7[%parallel_loop3A_115] {strides = array<i32>} : memref<8192xf32, #tpu.memory_space<vmem>>, vector<16xf32>,
      %parallel_loop3A_117 = arith.addi %get3A_19, %parallel_loop3A_96 : vector<16xi32>
      tpu.vector_store_idx %arg9[%parallel_loop3A_117], %parallel_loop3A_116 : memref<32768xf32, #tpu.memory_space<vmem>>[vector<16xi32>], vector<16xf32>,
      %parallel_loop3A_118 = arith.constant 128 : i32
      %parallel_loop3A_119 = arith.muli %parallel_loop3A_93, %parallel_loop3A_118 : i32
      %parallel_loop3A_120 = arith.constant 48 : i32
      %parallel_loop3A_121 = arith.addi %parallel_loop3A_119, %parallel_loop3A_120 : i32
      %parallel_loop3A_122 = arith.index_cast %parallel_loop3A_121 : i32 to index
      %parallel_loop3A_123 = tpu.vector_load %arg7[%parallel_loop3A_122] {strides = array<i32>} : memref<8192xf32, #tpu.memory_space<vmem>>, vector<16xf32>,
      %parallel_loop3A_124 = arith.addi %get3A_21, %parallel_loop3A_96 : vector<16xi32>
      tpu.vector_store_idx %arg9[%parallel_loop3A_124], %parallel_loop3A_123 : memref<32768xf32, #tpu.memory_space<vmem>>[vector<16xi32>], vector<16xf32>,
      %parallel_loop3A_125 = arith.constant 128 : i32
      %parallel_loop3A_126 = arith.muli %parallel_loop3A_93, %parallel_loop3A_125 : i32
      %parallel_loop3A_127 = arith.constant 64 : i32
      %parallel_loop3A_128 = arith.addi %parallel_loop3A_126, %parallel_loop3A_127 : i32
      %parallel_loop3A_129 = arith.index_cast %parallel_loop3A_128 : i32 to index
      %parallel_loop3A_130 = tpu.vector_load %arg7[%parallel_loop3A_129] {strides = array<i32>} : memref<8192xf32, #tpu.memory_space<vmem>>, vector<16xf32>,
      %parallel_loop3A_131 = arith.addi %get3A_23, %parallel_loop3A_96 : vector<16xi32>
      tpu.vector_store_idx %arg9[%parallel_loop3A_131], %parallel_loop3A_130 : memref<32768xf32, #tpu.memory_space<vmem>>[vector<16xi32>], vector<16xf32>,
      %parallel_loop3A_132 = arith.constant 128 : i32
      %parallel_loop3A_133 = arith.muli %parallel_loop3A_93, %parallel_loop3A_132 : i32
      %parallel_loop3A_134 = arith.constant 80 : i32
      %parallel_loop3A_135 = arith.addi %parallel_loop3A_133, %parallel_loop3A_134 : i32
      %parallel_loop3A_136 = arith.index_cast %parallel_loop3A_135 : i32 to index
      %parallel_loop3A_137 = tpu.vector_load %arg7[%parallel_loop3A_136] {strides = array<i32>} : memref<8192xf32, #tpu.memory_space<vmem>>, vector<16xf32>,
      %parallel_loop3A_138 = arith.addi %get3A_25, %parallel_loop3A_96 : vector<16xi32>
      tpu.vector_store_idx %arg9[%parallel_loop3A_138], %parallel_loop3A_137 : memref<32768xf32, #tpu.memory_space<vmem>>[vector<16xi32>], vector<16xf32>,
      %parallel_loop3A_139 = arith.constant 128 : i32
      %parallel_loop3A_140 = arith.muli %parallel_loop3A_93, %parallel_loop3A_139 : i32
      %parallel_loop3A_141 = arith.constant 96 : i32
      %parallel_loop3A_142 = arith.addi %parallel_loop3A_140, %parallel_loop3A_141 : i32
      %parallel_loop3A_143 = arith.index_cast %parallel_loop3A_142 : i32 to index
      %parallel_loop3A_144 = tpu.vector_load %arg7[%parallel_loop3A_143] {strides = array<i32>} : memref<8192xf32, #tpu.memory_space<vmem>>, vector<16xf32>,
      %parallel_loop3A_145 = arith.addi %get3A_27, %parallel_loop3A_96 : vector<16xi32>
      tpu.vector_store_idx %arg9[%parallel_loop3A_145], %parallel_loop3A_144 : memref<32768xf32, #tpu.memory_space<vmem>>[vector<16xi32>], vector<16xf32>,
      %parallel_loop3A_146 = arith.constant 128 : i32
      %parallel_loop3A_147 = arith.muli %parallel_loop3A_93, %parallel_loop3A_146 : i32
      %parallel_loop3A_148 = arith.constant 112 : i32
      %parallel_loop3A_149 = arith.addi %parallel_loop3A_147, %parallel_loop3A_148 : i32
      %parallel_loop3A_150 = arith.index_cast %parallel_loop3A_149 : i32 to index
      %parallel_loop3A_151 = tpu.vector_load %arg7[%parallel_loop3A_150] {strides = array<i32>} : memref<8192xf32, #tpu.memory_space<vmem>>, vector<16xf32>,
      %parallel_loop3A_152 = arith.addi %get3A_29, %parallel_loop3A_96 : vector<16xi32>
      tpu.vector_store_idx %arg9[%parallel_loop3A_152], %parallel_loop3A_151 : memref<32768xf32, #tpu.memory_space<vmem>>[vector<16xi32>], vector<16xf32>,
    } {sc.loop_unroll_factor = 8 : i64, sc.parallel_access}
    %add3A_64 = arith.constant 64 : i32
    %add3A_65 = arith.addi %mul3A_2, %add3A_64 : i32
    %mul3A_66 = arith.constant 512 : i32
    %mul3A_67 = arith.muli %add3A_65, %mul3A_66 : i32
    %dma_start3A_68 = tpu.memref_slice %arg4[%mul3A_67] : memref<8388608xf32, #tpu.memory_space<hbm>> -> memref<32768xf32, #tpu.memory_space<hbm>>
    %dma_start3A_69 = tpu.memref_slice %arg4[%mul3A_67] : memref<8388608xf32, #tpu.memory_space<hbm>> -> memref<32768xf32, #tpu.memory_space<hbm>>
    tpu.enqueue_dma source(%arg9 : memref<32768xf32, #tpu.memory_space<vmem>>) target(%dma_start3A_69 : memref<32768xf32, #tpu.memory_space<hbm>>) target_semaphore(%arg13 : memref<!tpu.dma_semaphore, #tpu.memory_space<semaphore_mem>>)
    %add3A_70 = arith.constant 192 : i32
    %add3A_71 = arith.addi %mul3A_2, %add3A_70 : i32
    %mul3A_72 = arith.constant 128 : i32
    %mul3A_73 = arith.muli %add3A_71, %mul3A_72 : i32
    %dma_start3A_74 = tpu.memref_slice %arg2[%mul3A_73] : memref<2097152xf32, #tpu.memory_space<hbm>> -> memref<8192xf32, #tpu.memory_space<hbm>>
    %dma_start3A_75 = tpu.memref_slice %arg2[%mul3A_73] : memref<2097152xf32, #tpu.memory_space<hbm>> -> memref<8192xf32, #tpu.memory_space<hbm>>
    tpu.enqueue_dma source(%dma_start3A_75 : memref<8192xf32, #tpu.memory_space<hbm>>) target(%arg7 : memref<8192xf32, #tpu.memory_space<vmem>>) target_semaphore(%arg11 : memref<!tpu.dma_semaphore, #tpu.memory_space<semaphore_mem>>)
    %scan3A = arith.constant 0 : i32
    %scan3A_76 = arith.constant 1 : i32
    %scan3A_77 = arith.constant 3 : i32
    %scan3A_78 = arith.addi %scan3A_76, %scan3A_77 : i32
    %scan3A_79 = arith.constant 1 : i32
    scf.for %scan3A_93 = %scan3A_76 to %scan3A_78 step %scan3A_79  : i32 {
      %mul3A_94 = arith.constant 2 : i32
      %mul3A_95 = arith.muli %mul3A_94, %scan3A_93 : i32
      %mul3A_96 = arith.constant 64 : i32
      %mul3A_97 = arith.muli %mul3A_95, %mul3A_96 : i32
      %add3A_98 = arith.addi %mul3A_2, %mul3A_97 : i32
      %mul3A_99 = arith.constant 128 : i32
      %mul3A_100 = arith.muli %add3A_98, %mul3A_99 : i32
      %dma_wait3A_101 = tpu.memref_slice %arg2[%mul3A_100] : memref<2097152xf32, #tpu.memory_space<hbm>> -> memref<8192xf32, #tpu.memory_space<hbm>>
      %dma_wait3A_102 = tpu.memref_slice %arg2[%mul3A_100] : memref<2097152xf32, #tpu.memory_space<hbm>> -> memref<8192xf32, #tpu.memory_space<hbm>>
      tpu.wait_dma2 semaphore(%arg10 : memref<!tpu.dma_semaphore, #tpu.memory_space<semaphore_mem>>) src(%dma_wait3A_102 : memref<8192xf32, #tpu.memory_space<hbm>>) dst(%arg6 : memref<8192xf32, #tpu.memory_space<vmem>>)
      %mul3A_103 = arith.constant 64 : i32
      %mul3A_104 = arith.muli %mul3A_95, %mul3A_103 : i32
      %add3A_105 = arith.addi %mul3A_2, %mul3A_104 : i32
      %mul3A_106 = arith.constant 512 : i32
      %mul3A_107 = arith.muli %add3A_105, %mul3A_106 : i32
      %dma_wait3A_108 = tpu.memref_slice %arg4[%mul3A_107] : memref<8388608xf32, #tpu.memory_space<hbm>> -> memref<32768xf32, #tpu.memory_space<hbm>>
      %dma_wait3A_109 = tpu.memref_slice %arg4[%mul3A_107] : memref<8388608xf32, #tpu.memory_space<hbm>> -> memref<32768xf32, #tpu.memory_space<hbm>>
      tpu.wait_dma2 semaphore(%arg12 : memref<!tpu.dma_semaphore, #tpu.memory_space<semaphore_mem>>) src(%arg8 : memref<32768xf32, #tpu.memory_space<vmem>>) dst(%dma_wait3A_109 : memref<32768xf32, #tpu.memory_space<hbm>>)
      %parallel_loop3A_110 = arith.constant 0 : i32
      %parallel_loop3A_111 = arith.constant 64 : i32
      %parallel_loop3A_112 = arith.constant 1 : i32
      scf.for %parallel_loop3A_157 = %parallel_loop3A_110 to %parallel_loop3A_111 step %parallel_loop3A_112  : i32 {
        %parallel_loop3A_158 = arith.constant 512 : i32
        %parallel_loop3A_159 = arith.muli %parallel_loop3A_157, %parallel_loop3A_158 : i32
        %parallel_loop3A_160 = vector.broadcast %parallel_loop3A_159 : i32 to vector<16xi32>
        %parallel_loop3A_161 = arith.constant 128 : i32
        %parallel_loop3A_162 = arith.muli %parallel_loop3A_157, %parallel_loop3A_161 : i32
        %parallel_loop3A_163 = arith.constant 0 : i32
        %parallel_loop3A_164 = arith.addi %parallel_loop3A_162, %parallel_loop3A_163 : i32
        %parallel_loop3A_165 = arith.index_cast %parallel_loop3A_164 : i32 to index
        %parallel_loop3A_166 = tpu.vector_load %arg6[%parallel_loop3A_165] {strides = array<i32>} : memref<8192xf32, #tpu.memory_space<vmem>>, vector<16xf32>,
        %parallel_loop3A_167 = arith.addi %get3A_15, %parallel_loop3A_160 : vector<16xi32>
        tpu.vector_store_idx %arg8[%parallel_loop3A_167], %parallel_loop3A_166 : memref<32768xf32, #tpu.memory_space<vmem>>[vector<16xi32>], vector<16xf32>,
        %parallel_loop3A_168 = arith.constant 128 : i32
        %parallel_loop3A_169 = arith.muli %parallel_loop3A_157, %parallel_loop3A_168 : i32
        %parallel_loop3A_170 = arith.constant 16 : i32
        %parallel_loop3A_171 = arith.addi %parallel_loop3A_169, %parallel_loop3A_170 : i32
        %parallel_loop3A_172 = arith.index_cast %parallel_loop3A_171 : i32 to index
        %parallel_loop3A_173 = tpu.vector_load %arg6[%parallel_loop3A_172] {strides = array<i32>} : memref<8192xf32, #tpu.memory_space<vmem>>, vector<16xf32>,
        %parallel_loop3A_174 = arith.addi %get3A_17, %parallel_loop3A_160 : vector<16xi32>
        tpu.vector_store_idx %arg8[%parallel_loop3A_174], %parallel_loop3A_173 : memref<32768xf32, #tpu.memory_space<vmem>>[vector<16xi32>], vector<16xf32>,
        %parallel_loop3A_175 = arith.constant 128 : i32
        %parallel_loop3A_176 = arith.muli %parallel_loop3A_157, %parallel_loop3A_175 : i32
        %parallel_loop3A_177 = arith.constant 32 : i32
        %parallel_loop3A_178 = arith.addi %parallel_loop3A_176, %parallel_loop3A_177 : i32
        %parallel_loop3A_179 = arith.index_cast %parallel_loop3A_178 : i32 to index
        %parallel_loop3A_180 = tpu.vector_load %arg6[%parallel_loop3A_179] {strides = array<i32>} : memref<8192xf32, #tpu.memory_space<vmem>>, vector<16xf32>,
        %parallel_loop3A_181 = arith.addi %get3A_19, %parallel_loop3A_160 : vector<16xi32>
        tpu.vector_store_idx %arg8[%parallel_loop3A_181], %parallel_loop3A_180 : memref<32768xf32, #tpu.memory_space<vmem>>[vector<16xi32>], vector<16xf32>,
        %parallel_loop3A_182 = arith.constant 128 : i32
        %parallel_loop3A_183 = arith.muli %parallel_loop3A_157, %parallel_loop3A_182 : i32
        %parallel_loop3A_184 = arith.constant 48 : i32
        %parallel_loop3A_185 = arith.addi %parallel_loop3A_183, %parallel_loop3A_184 : i32
        %parallel_loop3A_186 = arith.index_cast %parallel_loop3A_185 : i32 to index
        %parallel_loop3A_187 = tpu.vector_load %arg6[%parallel_loop3A_186] {strides = array<i32>} : memref<8192xf32, #tpu.memory_space<vmem>>, vector<16xf32>,
        %parallel_loop3A_188 = arith.addi %get3A_21, %parallel_loop3A_160 : vector<16xi32>
        tpu.vector_store_idx %arg8[%parallel_loop3A_188], %parallel_loop3A_187 : memref<32768xf32, #tpu.memory_space<vmem>>[vector<16xi32>], vector<16xf32>,
        %parallel_loop3A_189 = arith.constant 128 : i32
        %parallel_loop3A_190 = arith.muli %parallel_loop3A_157, %parallel_loop3A_189 : i32
        %parallel_loop3A_191 = arith.constant 64 : i32
        %parallel_loop3A_192 = arith.addi %parallel_loop3A_190, %parallel_loop3A_191 : i32
        %parallel_loop3A_193 = arith.index_cast %parallel_loop3A_192 : i32 to index
        %parallel_loop3A_194 = tpu.vector_load %arg6[%parallel_loop3A_193] {strides = array<i32>} : memref<8192xf32, #tpu.memory_space<vmem>>, vector<16xf32>,
        %parallel_loop3A_195 = arith.addi %get3A_23, %parallel_loop3A_160 : vector<16xi32>
        tpu.vector_store_idx %arg8[%parallel_loop3A_195], %parallel_loop3A_194 : memref<32768xf32, #tpu.memory_space<vmem>>[vector<16xi32>], vector<16xf32>,
        %parallel_loop3A_196 = arith.constant 128 : i32
        %parallel_loop3A_197 = arith.muli %parallel_loop3A_157, %parallel_loop3A_196 : i32
        %parallel_loop3A_198 = arith.constant 80 : i32
        %parallel_loop3A_199 = arith.addi %parallel_loop3A_197, %parallel_loop3A_198 : i32
        %parallel_loop3A_200 = arith.index_cast %parallel_loop3A_199 : i32 to index
        %parallel_loop3A_201 = tpu.vector_load %arg6[%parallel_loop3A_200] {strides = array<i32>} : memref<8192xf32, #tpu.memory_space<vmem>>, vector<16xf32>,
        %parallel_loop3A_202 = arith.addi %get3A_25, %parallel_loop3A_160 : vector<16xi32>
        tpu.vector_store_idx %arg8[%parallel_loop3A_202], %parallel_loop3A_201 : memref<32768xf32, #tpu.memory_space<vmem>>[vector<16xi32>], vector<16xf32>,
        %parallel_loop3A_203 = arith.constant 128 : i32
        %parallel_loop3A_204 = arith.muli %parallel_loop3A_157, %parallel_loop3A_203 : i32
        %parallel_loop3A_205 = arith.constant 96 : i32
        %parallel_loop3A_206 = arith.addi %parallel_loop3A_204, %parallel_loop3A_205 : i32
        %parallel_loop3A_207 = arith.index_cast %parallel_loop3A_206 : i32 to index
        %parallel_loop3A_208 = tpu.vector_load %arg6[%parallel_loop3A_207] {strides = array<i32>} : memref<8192xf32, #tpu.memory_space<vmem>>, vector<16xf32>,
        %parallel_loop3A_209 = arith.addi %get3A_27, %parallel_loop3A_160 : vector<16xi32>
        tpu.vector_store_idx %arg8[%parallel_loop3A_209], %parallel_loop3A_208 : memref<32768xf32, #tpu.memory_space<vmem>>[vector<16xi32>], vector<16xf32>,
        %parallel_loop3A_210 = arith.constant 128 : i32
        %parallel_loop3A_211 = arith.muli %parallel_loop3A_157, %parallel_loop3A_210 : i32
        %parallel_loop3A_212 = arith.constant 112 : i32
        %parallel_loop3A_213 = arith.addi %parallel_loop3A_211, %parallel_loop3A_212 : i32
        %parallel_loop3A_214 = arith.index_cast %parallel_loop3A_213 : i32 to index
        %parallel_loop3A_215 = tpu.vector_load %arg6[%parallel_loop3A_214] {strides = array<i32>} : memref<8192xf32, #tpu.memory_space<vmem>>, vector<16xf32>,
        %parallel_loop3A_216 = arith.addi %get3A_29, %parallel_loop3A_160 : vector<16xi32>
        tpu.vector_store_idx %arg8[%parallel_loop3A_216], %parallel_loop3A_215 : memref<32768xf32, #tpu.memory_space<vmem>>[vector<16xi32>], vector<16xf32>,
      } {sc.loop_unroll_factor = 8 : i64, sc.parallel_access}
      %mul3A_113 = arith.constant 64 : i32
      %mul3A_114 = arith.muli %mul3A_95, %mul3A_113 : i32
      %add3A_115 = arith.addi %mul3A_2, %mul3A_114 : i32
      %mul3A_116 = arith.constant 512 : i32
      %mul3A_117 = arith.muli %add3A_115, %mul3A_116 : i32
      %dma_start3A_118 = tpu.memref_slice %arg4[%mul3A_117] : memref<8388608xf32, #tpu.memory_space<hbm>> -> memref<32768xf32, #tpu.memory_space<hbm>>
      %dma_start3A_119 = tpu.memref_slice %arg4[%mul3A_117] : memref<8388608xf32, #tpu.memory_space<hbm>> -> memref<32768xf32, #tpu.memory_space<hbm>>
      tpu.enqueue_dma source(%arg8 : memref<32768xf32, #tpu.memory_space<vmem>>) target(%dma_start3A_119 : memref<32768xf32, #tpu.memory_space<hbm>>) target_semaphore(%arg12 : memref<!tpu.dma_semaphore, #tpu.memory_space<semaphore_mem>>)
      %lt3A = arith.constant 3 : i32
      %lt3A_120 = arith.cmpi slt, %scan3A_93, %lt3A : i32
      %convert_element_type3A = arith.extui %lt3A_120 : i1 to i32
      %cond3A = arith.constant 0 : i32
      %cond3A_121 = arith.cmpi ne, %convert_element_type3A, %cond3A : i32
      scf.if %cond3A_121 {
        %add3A_157 = arith.constant 2 : i32
        %add3A_158 = arith.addi %mul3A_95, %add3A_157 : i32
        %mul3A_159 = arith.constant 64 : i32
        %mul3A_160 = arith.muli %add3A_158, %mul3A_159 : i32
        %add3A_161 = arith.addi %mul3A_2, %mul3A_160 : i32
        %mul3A_162 = arith.constant 128 : i32
        %mul3A_163 = arith.muli %add3A_161, %mul3A_162 : i32
        %dma_start3A_164 = tpu.memref_slice %arg2[%mul3A_163] : memref<2097152xf32, #tpu.memory_space<hbm>> -> memref<8192xf32, #tpu.memory_space<hbm>>
        %dma_start3A_165 = tpu.memref_slice %arg2[%mul3A_163] : memref<2097152xf32, #tpu.memory_space<hbm>> -> memref<8192xf32, #tpu.memory_space<hbm>>
        tpu.enqueue_dma source(%dma_start3A_165 : memref<8192xf32, #tpu.memory_space<hbm>>) target(%arg6 : memref<8192xf32, #tpu.memory_space<vmem>>) target_semaphore(%arg10 : memref<!tpu.dma_semaphore, #tpu.memory_space<semaphore_mem>>)
      } else {
      }
      %add3A_122 = arith.constant 1 : i32
      %add3A_123 = arith.addi %mul3A_95, %add3A_122 : i32
      %mul3A_124 = arith.constant 64 : i32
      %mul3A_125 = arith.muli %add3A_123, %mul3A_124 : i32
      %add3A_126 = arith.addi %mul3A_2, %mul3A_125 : i32
      %mul3A_127 = arith.constant 128 : i32
      %mul3A_128 = arith.muli %add3A_126, %mul3A_127 : i32
      %dma_wait3A_129 = tpu.memref_slice %arg2[%mul3A_128] : memref<2097152xf32, #tpu.memory_space<hbm>> -> memref<8192xf32, #tpu.memory_space<hbm>>
      %dma_wait3A_130 = tpu.memref_slice %arg2[%mul3A_128] : memref<2097152xf32, #tpu.memory_space<hbm>> -> memref<8192xf32, #tpu.memory_space<hbm>>
      tpu.wait_dma2 semaphore(%arg11 : memref<!tpu.dma_semaphore, #tpu.memory_space<semaphore_mem>>) src(%dma_wait3A_130 : memref<8192xf32, #tpu.memory_space<hbm>>) dst(%arg7 : memref<8192xf32, #tpu.memory_space<vmem>>)
      %add3A_131 = arith.constant 1 : i32
      %add3A_132 = arith.addi %mul3A_95, %add3A_131 : i32
      %mul3A_133 = arith.constant 64 : i32
      %mul3A_134 = arith.muli %add3A_132, %mul3A_133 : i32
      %add3A_135 = arith.addi %mul3A_2, %mul3A_134 : i32
      %mul3A_136 = arith.constant 512 : i32
      %mul3A_137 = arith.muli %add3A_135, %mul3A_136 : i32
      %dma_wait3A_138 = tpu.memref_slice %arg4[%mul3A_137] : memref<8388608xf32, #tpu.memory_space<hbm>> -> memref<32768xf32, #tpu.memory_space<hbm>>
      %dma_wait3A_139 = tpu.memref_slice %arg4[%mul3A_137] : memref<8388608xf32, #tpu.memory_space<hbm>> -> memref<32768xf32, #tpu.memory_space<hbm>>
      tpu.wait_dma2 semaphore(%arg13 : memref<!tpu.dma_semaphore, #tpu.memory_space<semaphore_mem>>) src(%arg9 : memref<32768xf32, #tpu.memory_space<vmem>>) dst(%dma_wait3A_139 : memref<32768xf32, #tpu.memory_space<hbm>>)
      %parallel_loop3A_140 = arith.constant 0 : i32
      %parallel_loop3A_141 = arith.constant 64 : i32
      %parallel_loop3A_142 = arith.constant 1 : i32
      scf.for %parallel_loop3A_157 = %parallel_loop3A_140 to %parallel_loop3A_141 step %parallel_loop3A_142  : i32 {
        %parallel_loop3A_158 = arith.constant 512 : i32
        %parallel_loop3A_159 = arith.muli %parallel_loop3A_157, %parallel_loop3A_158 : i32
        %parallel_loop3A_160 = vector.broadcast %parallel_loop3A_159 : i32 to vector<16xi32>
        %parallel_loop3A_161 = arith.constant 128 : i32
        %parallel_loop3A_162 = arith.muli %parallel_loop3A_157, %parallel_loop3A_161 : i32
        %parallel_loop3A_163 = arith.constant 0 : i32
        %parallel_loop3A_164 = arith.addi %parallel_loop3A_162, %parallel_loop3A_163 : i32
        %parallel_loop3A_165 = arith.index_cast %parallel_loop3A_164 : i32 to index
        %parallel_loop3A_166 = tpu.vector_load %arg7[%parallel_loop3A_165] {strides = array<i32>} : memref<8192xf32, #tpu.memory_space<vmem>>, vector<16xf32>,
        %parallel_loop3A_167 = arith.addi %get3A_15, %parallel_loop3A_160 : vector<16xi32>
        tpu.vector_store_idx %arg9[%parallel_loop3A_167], %parallel_loop3A_166 : memref<32768xf32, #tpu.memory_space<vmem>>[vector<16xi32>], vector<16xf32>,
        %parallel_loop3A_168 = arith.constant 128 : i32
        %parallel_loop3A_169 = arith.muli %parallel_loop3A_157, %parallel_loop3A_168 : i32
        %parallel_loop3A_170 = arith.constant 16 : i32
        %parallel_loop3A_171 = arith.addi %parallel_loop3A_169, %parallel_loop3A_170 : i32
        %parallel_loop3A_172 = arith.index_cast %parallel_loop3A_171 : i32 to index
        %parallel_loop3A_173 = tpu.vector_load %arg7[%parallel_loop3A_172] {strides = array<i32>} : memref<8192xf32, #tpu.memory_space<vmem>>, vector<16xf32>,
        %parallel_loop3A_174 = arith.addi %get3A_17, %parallel_loop3A_160 : vector<16xi32>
        tpu.vector_store_idx %arg9[%parallel_loop3A_174], %parallel_loop3A_173 : memref<32768xf32, #tpu.memory_space<vmem>>[vector<16xi32>], vector<16xf32>,
        %parallel_loop3A_175 = arith.constant 128 : i32
        %parallel_loop3A_176 = arith.muli %parallel_loop3A_157, %parallel_loop3A_175 : i32
        %parallel_loop3A_177 = arith.constant 32 : i32
        %parallel_loop3A_178 = arith.addi %parallel_loop3A_176, %parallel_loop3A_177 : i32
        %parallel_loop3A_179 = arith.index_cast %parallel_loop3A_178 : i32 to index
        %parallel_loop3A_180 = tpu.vector_load %arg7[%parallel_loop3A_179] {strides = array<i32>} : memref<8192xf32, #tpu.memory_space<vmem>>, vector<16xf32>,
        %parallel_loop3A_181 = arith.addi %get3A_19, %parallel_loop3A_160 : vector<16xi32>
        tpu.vector_store_idx %arg9[%parallel_loop3A_181], %parallel_loop3A_180 : memref<32768xf32, #tpu.memory_space<vmem>>[vector<16xi32>], vector<16xf32>,
        %parallel_loop3A_182 = arith.constant 128 : i32
        %parallel_loop3A_183 = arith.muli %parallel_loop3A_157, %parallel_loop3A_182 : i32
        %parallel_loop3A_184 = arith.constant 48 : i32
        %parallel_loop3A_185 = arith.addi %parallel_loop3A_183, %parallel_loop3A_184 : i32
        %parallel_loop3A_186 = arith.index_cast %parallel_loop3A_185 : i32 to index
        %parallel_loop3A_187 = tpu.vector_load %arg7[%parallel_loop3A_186] {strides = array<i32>} : memref<8192xf32, #tpu.memory_space<vmem>>, vector<16xf32>,
        %parallel_loop3A_188 = arith.addi %get3A_21, %parallel_loop3A_160 : vector<16xi32>
        tpu.vector_store_idx %arg9[%parallel_loop3A_188], %parallel_loop3A_187 : memref<32768xf32, #tpu.memory_space<vmem>>[vector<16xi32>], vector<16xf32>,
        %parallel_loop3A_189 = arith.constant 128 : i32
        %parallel_loop3A_190 = arith.muli %parallel_loop3A_157, %parallel_loop3A_189 : i32
        %parallel_loop3A_191 = arith.constant 64 : i32
        %parallel_loop3A_192 = arith.addi %parallel_loop3A_190, %parallel_loop3A_191 : i32
        %parallel_loop3A_193 = arith.index_cast %parallel_loop3A_192 : i32 to index
        %parallel_loop3A_194 = tpu.vector_load %arg7[%parallel_loop3A_193] {strides = array<i32>} : memref<8192xf32, #tpu.memory_space<vmem>>, vector<16xf32>,
        %parallel_loop3A_195 = arith.addi %get3A_23, %parallel_loop3A_160 : vector<16xi32>
        tpu.vector_store_idx %arg9[%parallel_loop3A_195], %parallel_loop3A_194 : memref<32768xf32, #tpu.memory_space<vmem>>[vector<16xi32>], vector<16xf32>,
        %parallel_loop3A_196 = arith.constant 128 : i32
        %parallel_loop3A_197 = arith.muli %parallel_loop3A_157, %parallel_loop3A_196 : i32
        %parallel_loop3A_198 = arith.constant 80 : i32
        %parallel_loop3A_199 = arith.addi %parallel_loop3A_197, %parallel_loop3A_198 : i32
        %parallel_loop3A_200 = arith.index_cast %parallel_loop3A_199 : i32 to index
        %parallel_loop3A_201 = tpu.vector_load %arg7[%parallel_loop3A_200] {strides = array<i32>} : memref<8192xf32, #tpu.memory_space<vmem>>, vector<16xf32>,
        %parallel_loop3A_202 = arith.addi %get3A_25, %parallel_loop3A_160 : vector<16xi32>
        tpu.vector_store_idx %arg9[%parallel_loop3A_202], %parallel_loop3A_201 : memref<32768xf32, #tpu.memory_space<vmem>>[vector<16xi32>], vector<16xf32>,
        %parallel_loop3A_203 = arith.constant 128 : i32
        %parallel_loop3A_204 = arith.muli %parallel_loop3A_157, %parallel_loop3A_203 : i32
        %parallel_loop3A_205 = arith.constant 96 : i32
        %parallel_loop3A_206 = arith.addi %parallel_loop3A_204, %parallel_loop3A_205 : i32
        %parallel_loop3A_207 = arith.index_cast %parallel_loop3A_206 : i32 to index
        %parallel_loop3A_208 = tpu.vector_load %arg7[%parallel_loop3A_207] {strides = array<i32>} : memref<8192xf32, #tpu.memory_space<vmem>>, vector<16xf32>,
        %parallel_loop3A_209 = arith.addi %get3A_27, %parallel_loop3A_160 : vector<16xi32>
        tpu.vector_store_idx %arg9[%parallel_loop3A_209], %parallel_loop3A_208 : memref<32768xf32, #tpu.memory_space<vmem>>[vector<16xi32>], vector<16xf32>,
        %parallel_loop3A_210 = arith.constant 128 : i32
        %parallel_loop3A_211 = arith.muli %parallel_loop3A_157, %parallel_loop3A_210 : i32
        %parallel_loop3A_212 = arith.constant 112 : i32
        %parallel_loop3A_213 = arith.addi %parallel_loop3A_211, %parallel_loop3A_212 : i32
        %parallel_loop3A_214 = arith.index_cast %parallel_loop3A_213 : i32 to index
        %parallel_loop3A_215 = tpu.vector_load %arg7[%parallel_loop3A_214] {strides = array<i32>} : memref<8192xf32, #tpu.memory_space<vmem>>, vector<16xf32>,
        %parallel_loop3A_216 = arith.addi %get3A_29, %parallel_loop3A_160 : vector<16xi32>
        tpu.vector_store_idx %arg9[%parallel_loop3A_216], %parallel_loop3A_215 : memref<32768xf32, #tpu.memory_space<vmem>>[vector<16xi32>], vector<16xf32>,
      } {sc.loop_unroll_factor = 8 : i64, sc.parallel_access}
      %add3A_143 = arith.constant 1 : i32
      %add3A_144 = arith.addi %mul3A_95, %add3A_143 : i32
      %mul3A_145 = arith.constant 64 : i32
      %mul3A_146 = arith.muli %add3A_144, %mul3A_145 : i32
      %add3A_147 = arith.addi %mul3A_2, %mul3A_146 : i32
      %mul3A_148 = arith.constant 512 : i32
      %mul3A_149 = arith.muli %add3A_147, %mul3A_148 : i32
      %dma_start3A_150 = tpu.memref_slice %arg4[%mul3A_149] : memref<8388608xf32, #tpu.memory_space<hbm>> -> memref<32768xf32, #tpu.memory_space<hbm>>
      %dma_start3A_151 = tpu.memref_slice %arg4[%mul3A_149] : memref<8388608xf32, #tpu.memory_space<hbm>> -> memref<32768xf32, #tpu.memory_space<hbm>>
      tpu.enqueue_dma source(%arg9 : memref<32768xf32, #tpu.memory_space<vmem>>) target(%dma_start3A_151 : memref<32768xf32, #tpu.memory_space<hbm>>) target_semaphore(%arg13 : memref<!tpu.dma_semaphore, #tpu.memory_space<semaphore_mem>>)
      %lt3A_152 = arith.constant 3 : i32
      %lt3A_153 = arith.cmpi slt, %scan3A_93, %lt3A_152 : i32
      %convert_element_type3A_154 = arith.extui %lt3A_153 : i1 to i32
      %cond3A_155 = arith.constant 0 : i32
      %cond3A_156 = arith.cmpi ne, %convert_element_type3A_154, %cond3A_155 : i32
      scf.if %cond3A_156 {
        %add3A_157 = arith.constant 3 : i32
        %add3A_158 = arith.addi %mul3A_95, %add3A_157 : i32
        %mul3A_159 = arith.constant 64 : i32
        %mul3A_160 = arith.muli %add3A_158, %mul3A_159 : i32
        %add3A_161 = arith.addi %mul3A_2, %mul3A_160 : i32
        %mul3A_162 = arith.constant 128 : i32
        %mul3A_163 = arith.muli %add3A_161, %mul3A_162 : i32
        %dma_start3A_164 = tpu.memref_slice %arg2[%mul3A_163] : memref<2097152xf32, #tpu.memory_space<hbm>> -> memref<8192xf32, #tpu.memory_space<hbm>>
        %dma_start3A_165 = tpu.memref_slice %arg2[%mul3A_163] : memref<2097152xf32, #tpu.memory_space<hbm>> -> memref<8192xf32, #tpu.memory_space<hbm>>
        tpu.enqueue_dma source(%dma_start3A_165 : memref<8192xf32, #tpu.memory_space<hbm>>) target(%arg7 : memref<8192xf32, #tpu.memory_space<vmem>>) target_semaphore(%arg11 : memref<!tpu.dma_semaphore, #tpu.memory_space<semaphore_mem>>)
      } else {
      }
    }
    %scan3A_80 = arith.constant 3 : i32
    %add3A_81 = arith.constant 0 : i32
    %add3A_82 = arith.addi %mul3A_2, %add3A_81 : i32
    %mul3A_83 = arith.constant 512 : i32
    %mul3A_84 = arith.muli %add3A_82, %mul3A_83 : i32
    %dma_wait3A_85 = tpu.memref_slice %arg4[%mul3A_84] : memref<8388608xf32, #tpu.memory_space<hbm>> -> memref<32768xf32, #tpu.memory_space<hbm>>
    %dma_wait3A_86 = tpu.memref_slice %arg4[%mul3A_84] : memref<8388608xf32, #tpu.memory_space<hbm>> -> memref<32768xf32, #tpu.memory_space<hbm>>
    tpu.wait_dma2 semaphore(%arg12 : memref<!tpu.dma_semaphore, #tpu.memory_space<semaphore_mem>>) src(%arg8 : memref<32768xf32, #tpu.memory_space<vmem>>) dst(%dma_wait3A_86 : memref<32768xf32, #tpu.memory_space<hbm>>)
    %add3A_87 = arith.constant 64 : i32
    %add3A_88 = arith.addi %mul3A_2, %add3A_87 : i32
    %mul3A_89 = arith.constant 512 : i32
    %mul3A_90 = arith.muli %add3A_88, %mul3A_89 : i32
    %dma_wait3A_91 = tpu.memref_slice %arg4[%mul3A_90] : memref<8388608xf32, #tpu.memory_space<hbm>> -> memref<32768xf32, #tpu.memory_space<hbm>>
    %dma_wait3A_92 = tpu.memref_slice %arg4[%mul3A_90] : memref<8388608xf32, #tpu.memory_space<hbm>> -> memref<32768xf32, #tpu.memory_space<hbm>>
    tpu.wait_dma2 semaphore(%arg13 : memref<!tpu.dma_semaphore, #tpu.memory_space<semaphore_mem>>) src(%arg9 : memref<32768xf32, #tpu.memory_space<vmem>>) dst(%dma_wait3A_92 : memref<32768xf32, #tpu.memory_space<hbm>>)
    return
  }
}

</mosaic_0001>

<sc_bundles>
// kernel: kernel.3.cloned.1.call-start
scs
__scs_entry_jumppad:
0x0: {  	(pc) =	sbr.rel $0x88, $3  }
0x1: {  	(tag) =	ssettag $0x0;
	lr =	simm.s32 $0x1  }
0x2: {  	[smem:$0x3F9F] =	sst lr;
	_ =	strace $0xD0000000  }
0x3: {  	_ = 	snop  }
0x4: {  	_ = 	snop  }
0x5: {  	_ = 	snop  }
0x6: {  	_ = 	snop  }
0x7: {  	_ = 	snop  }
__scs_overlays_trampoline_lowered:
0x8: {  	[smem:$0x3FAE] =	sst s0  }
0x9: {  	[smem:$0x3FAF] =	sst s1  }
0xa: {  	[smem:$0x3FB0] =	sst s2  }
0xb: {  	[smem:$0x3FB1] =	sst s3  }
0xc: {  	[smem:$0x3FB2] =	sst s4  }
0xd: {  	[smem:$0x3FB3] =	sst s5  }
0xe: {  	[smem:$0x3FB4] =	sst s6  }
0xf: {  	[smem:$0x3FB5] =	sst s7  }
0x10: {  	[smem:$0x3FB6] =	sst s8  }
0x11: {  	[smem:$0x3FB7] =	sst s9;
	s0 =	simm.s32 @!p0 $0x0  }
0x12: {  	s1 =	sld [smem:$0x3F9D];
	s0 =	simm.s32 @p0 $0x1  }
0x13: {  	[smem:$0x3FB8] =	sst s0;
	s0 =	simm.s32 @!p1 $0x0  }
0x14: {  	s2 =	sld [smem:$0x3F9C];
	s0 =	simm.s32 @p1 $0x1  }
0x15: {  	[smem:$0x3FB9] =	sst s0;
	s0 =	simm.s32 @!p2 $0x0  }
0x16: {  	s3 =	sld [smem:$0x3FDB];
	s0 =	simm.s32 @p2 $0x1  }
0x17: {  	s4 =	simm.s32 $0x1BF5;
	[smem:$0x3FBB] =	sst s0  }
0x18: {  	s0 =	sld [smem:$0x3F9E];
	_ =	swait.ge [sflag:s4], $0x0  }
0x19: {  	s7 =	sld [smem:$0x3F9F]  }
0x1a: {  	s8 =	sadd.s32 $0xFFFFE003, lr  }
0x1b: {  	s9 =	sadd.s32 $0xFFFFFEF7, lr;
	s5 =	simm.s32 $0xFFFFFFFF;
	p2 =	slt.u32 s8, $0xFFFFF086  }
0x1c: {  	p1 =	slt.u32 s9, $0xF7A;
	s5 =	simm.s32 @!p2 $0x0  }
0x1d: {  	s5 =	simm.s32 @p1 $0x1;
	p0 =	seq.s32 s7, s2  }
0x1e: {  	s7 =	smul.u32 @!p0 $0xF7A, s2;
	p2 =	seq.s32 @!p0 s5, $0x0  }
0x1f: {  	s9 =	smul.u32 $0xF7A, s1;
	s8 =	simm.s32 @!p0 $0x1BF5;
	p2 =	por !p2, p0  }
0x20: {  	[sflag:s8] =	ssyncset.s32 @!p0 $0xFFFFF086;
	s6 =	sadd.s32 @!p0 s3, s7;
	s7 =	simm.s32 @!p0 $0x108  }
0x21: {  	s3 =	sadd.s32 s3, s9;
	s6 =	sadd.s32 @!p0 $0x88, s6;
	s7 =	simm.s32 @p2 $0x1082  }
0x22: {  	[simem:s7], [sflag:s8] =	dma.local @!p0 [hbm:s6], $0xF7A  }
0x23: {  	s9 =	sor.u32 $0xD0000000, s2;
	s6 =	simm.s32 $0x108;
	_ =	swait.ge @!p0 [sflag:s8], $0x0  }
0x24: {  	s3 =	sadd.s32 $0x88, s3;
	s6 =	simm.s32 @!p1 $0x1082;
	[sflag:s4] =	ssyncset.s32 $0xFFFFF086  }
0x25: {  	[simem:s6], [sflag:s4] =	dma.local [hbm:s3], $0xF7A  }
0x26: {  	[smem:$0x3F9F] =	sst s1;
	(tag) =	ssettag s2;
	_ =	strace s9  }
0x27: {  	s1 =	sld [smem:$0x3FAF]  }
0x28: {  	s2 =	sld [smem:$0x3FB0]  }
0x29: {  	s4 =	sld [smem:$0x3FB2]  }
0x2a: {  	p0 =	seq.s32 s5, $0x0;
	s5 =	sld [smem:$0x3FB3]  }
0x2b: {  	s6 =	sld [smem:$0x3FB4]  }
0x2c: {  	s7 =	sld [smem:$0x3FB5]  }
0x2d: {  	s3 =	simm.s32 $0x108;
	s8 =	sld [smem:$0x3FB6]  }
0x2e: {  	s3 =	simm.s32 @!p0 $0x1082;
	s9 =	sld [smem:$0x3FB7]  }
0x2f: {  	lr =	sadd.s32 s0, s3;
	s0 =	sld [smem:$0x3FAE]  }
0x30: {  	s3 =	sld [smem:$0x3FB1]  }
0x31: {  	[smem:$0x3FBA] =	sst s10  }
0x32: {  	s10 =	sld [smem:$0x3FB8];
	_ =	sdelay $0x3  }
0x33: {  	p0 =	seq.s32 s10, $0x1;
	s10 =	sld [smem:$0x3FBA];
	_ =	sdelay $0x3  }
0x34: {  	[smem:$0x3FBA] =	sst s10  }
0x35: {  	s10 =	sld [smem:$0x3FB9];
	_ =	sdelay $0x3  }
0x36: {  	p1 =	seq.s32 s10, $0x1;
	s10 =	sld [smem:$0x3FBA];
	_ =	sdelay $0x3  }
0x37: {  	[smem:$0x3FBA] =	sst s10  }
0x38: {  	s10 =	sld [smem:$0x3FBB]  }
0x39: {  	_ = 	snop;
	(pc) =	sbr.ind lr, $3  }
0x3a: {  	_ = 	snop  }
0x3b: {  	_ = 	snop  }
0x3c: {  	p2 =	seq.s32 s10, $0x1;
	s10 =	sld [smem:$0x3FBA]  }
0x3d: {  	_ =	shalt  }
0x3e: {  	_ =	shalt  }
0x3f: {  	_ =	shalt  }
0x40: {  	_ =	shalt  }
0x41: {  	_ =	shalt  }
0x42: {  	_ =	shalt  }
0x43: {  	_ =	shalt  }
0x44: {  	_ =	shalt  }
0x45: {  	_ =	shalt  }
0x46: {  	_ =	shalt  }
0x47: {  	_ =	shalt  }
0x48: {  	_ =	shalt  }
0x49: {  	_ =	shalt  }
0x4a: {  	_ =	shalt  }
0x4b: {  	_ =	shalt  }
0x4c: {  	_ =	shalt  }
0x4d: {  	_ =	shalt  }
0x4e: {  	_ =	shalt  }
0x4f: {  	_ =	shalt  }
0x50: {  	_ =	shalt  }
0x51: {  	_ =	shalt  }
0x52: {  	_ =	shalt  }
0x53: {  	_ =	shalt  }
0x54: {  	_ =	shalt  }
0x55: {  	_ =	shalt  }
0x56: {  	_ =	shalt  }
0x57: {  	_ =	shalt  }
0x58: {  	_ =	shalt  }
0x59: {  	_ =	shalt  }
0x5a: {  	_ =	shalt  }
0x5b: {  	_ =	shalt  }
0x5c: {  	_ =	shalt  }
0x5d: {  	_ =	shalt  }
0x5e: {  	_ =	shalt  }
0x5f: {  	_ =	shalt  }
0x60: {  	_ =	shalt  }
0x61: {  	_ =	shalt  }
0x62: {  	_ =	shalt  }
0x63: {  	_ =	shalt  }
0x64: {  	_ =	shalt  }
0x65: {  	_ =	shalt  }
0x66: {  	_ =	shalt  }
0x67: {  	_ =	shalt  }
0x68: {  	_ =	shalt  }
0x69: {  	_ =	shalt  }
0x6a: {  	_ =	shalt  }
0x6b: {  	_ =	shalt  }
0x6c: {  	_ =	shalt  }
0x6d: {  	_ =	shalt  }
0x6e: {  	_ =	shalt  }
0x6f: {  	_ =	shalt  }
0x70: {  	_ =	shalt  }
0x71: {  	_ =	shalt  }
0x72: {  	_ =	shalt  }
0x73: {  	_ =	shalt  }
0x74: {  	_ =	shalt  }
0x75: {  	_ =	shalt  }
0x76: {  	_ =	shalt  }
0x77: {  	_ =	shalt  }
0x78: {  	_ =	shalt  }
0x79: {  	_ =	shalt  }
0x7a: {  	_ =	shalt  }
0x7b: {  	_ =	shalt  }
0x7c: {  	_ =	shalt  }
0x7d: {  	_ =	shalt  }
0x7e: {  	_ =	shalt  }
0x7f: {  	_ =	shalt  }
0x80: {  	_ =	shalt  }
0x81: {  	_ =	shalt  }
0x82: {  	_ =	shalt  }
0x83: {  	_ =	shalt  }
0x84: {  	_ =	shalt  }
0x85: {  	_ =	shalt  }
0x86: {  	_ =	shalt  }
0x87: {  	_ =	shalt  }
.Lfunc_end0:
.L_simem_size_0:
called_computation_lowered:
.L_overlay_start_0:
0x88: {  	s2 =	sld [smem:$0x3FD9]  }
0x89: {  	s3 =	sld [smem:$0x3FFE];
	_ =	sdelay $0x1  }
0x8a: {  	s1 =	srdreg.scid  }
0x8b: {  	s0 =	sand.u32 $0x1, s1  }
0x8c: {  	s17 =	sshll.u32 s0, $0xA;
	s2 =	sadd.s32 s3, s2  }
0x8d: {  	s2 =	sadd.s32 s2, s17  }
0x8e: {  	[smem:$0x3FC6] =	sst s2  }
0x8f: {  	_ = 	snop  }
0x90: {  	s2 =	sld [smem:$0x3FC9]  }
0x91: {  	s18 =	sld [smem:$0x3FC8];
	(tm) =	ssettm $0x1  }
0x92: {  	s4 =	sld [smem:$0x3FFB];
	_ =	sdelay $0x3  }
0x93: {  	_ =	strace s4  }
0x94: {  	s4 =	sld [smem:$0x3FFC];
	_ =	sdelay $0x3  }
0x95: {  	_ =	strace s4  }
0x96: {  	s4 =	sld [smem:$0x3FFD];
	_ =	sdelay $0x3  }
0x97: {  	_ =	strace s4  }
0x98: {  	_ =	strace $0x8FFFFFFF  }
0x99: {  	s19 =	sld [smem:$0x3FDB];
	_ =	sdelay $0x1  }
0x9a: {  	s5 =	simm.s32 $_scs_section_size  }
0x9b: {  	s6 =	simm.s32 $_size__tile_overlayer_lowered;
	s7 =	simm.s32 $_tile_overlayer_lowered  }
0x9c: {  	s22 =	simm.s32 $0x1BFF;
	s21 =	sshll.u32 s7, $0x1;
	s4 =	sadd.s32 s5, s19  }
0x9d: {  	s8 =	simm.s32 $0x0;
	s20 =	sshll.u32 s6, $0x1;
	s6 =	sadd.s32 s21, s4  }
0x9e: {  	[timem:s8], [sflag:s22] =	dma.local [hbm:s6], s20  }
0x9f: {  	_ =	swait.ge [sflag:s22], s20  }
0xa0: {  	s5 =	ssub.s32 $0x0, s20;
	[sflag:s22] =	ssyncset.done $0x0  }
0xa1: {  	[sflag:s22] =	ssyncadd.s32 s5;
	_ =	sdelay $0x1  }
0xa2: {  	s23 =	simm.s32 $0x1B8B  }
0xa3: {  	_ =	swait.ge [sflag:s23], $0x1  }
0xa4: {  	[sflag:s23] =	ssyncset.done $0x0  }
0xa5: {  	s25 =	simm.s32 $0x1B8E;
	s24 =	sld [smem:$0x3FFE];
	[sflag:s23] =	ssyncadd.s32 $0xFFFFFFFF  }
0xa6: {  	s26 =	simm.s32 $execute0_lowered;
	[smem:$0x3FD2] =	sst s25  }
0xa7: {  	s6 =	sshll.u32 s26, $0x1;
	_ =	strace $0x80000046;
	[dreg:$0x1] =	wrdreg $0xFFFFFFFF  }
0xa8: {  	s28 =	simm.s32 $_size_execute0_lowered;
	s4 =	sadd.s32 s4, s6;
	[dreg:$0x0] =	wrdreg $0x0  }
0xa9: {  	s6 =	sshll.u32 s28, $0x1;
	[dreg:$0x2] =	wrdreg s4  }
0xaa: {  	[dreg:$0x3] =	wrdreg s6  }
0xab: {  	[dreg:$0x4] =	wrdreg $0xC0  }
0xac: {  	_ =	task [dreg:s8], $0x5FFFF  }
0xad: {  	[dreg:$0x1] =	wrdreg $0xFFFFFFFF  }
0xae: {  	[dreg:$0x0] =	wrdreg $0x60  }
0xaf: {  	[dreg:$0x2] =	wrdreg s2  }
0xb0: {  	[dreg:$0x3] =	wrdreg s18  }
0xb1: {  	[dreg:$0x4] =	wrdreg s24  }
0xb2: {  	[dreg:$0x5] =	wrdreg $0x9  }
0xb3: {  	_ =	task.clear_ibuf [dreg:s8], $0x6FFFF;
	_ =	strace $0x90000046  }
0xb4: {  	s29 =	simm.s32 $0x9;
	_ =	strace $0x80000048  }
0xb5: {  	_ =	swait.ge [sflag:s29], $0x1  }
0xb6: {  	[sflag:s29] =	ssyncadd.s32 $0xFFFFFFFF  }
0xb7: {  	_ =	strace $0x90000048  }
0xb8: {  	_ =	sfence  }
0xb9: {  	s30 =	sld [smem:$0x0];
	_ =	sdelay $0x2  }
0xba: {  	s31 =	sshll.u32 s1, $0xD;
	s1 =	sshrl.u32 s1, $0x2  }
0xbb: {  	s3 =	sand.u32 $0x4000, s31;
	s1 =	sadd.s32 s1, s30  }
0xbc: {  	s0 =	sor.u32 s3, s0;
	s1 =	sshll.u32 s1, $0x11  }
0xbd: {  	s0 =	sor.u32 s1, s0  }
0xbe: {  	s0 =	sadd.s32 $0x8F2B, s0  }
0xbf: {  	[sflag:s0] =	ssyncadd.remote.s32 $0x1  }
0xc0: {  	_ =	sfence.sel $0xFFFF  }
0xc1: {  	[dreg:$0x0] =	wrdreg $0xFFFFFFFF;
	(pc) =	sbr.abs _section_cstart, $3  }
0xc2: {  	[dreg:$0x1] =	wrdreg $0xFFFFFFFF  }
0xc3: {  	_ =	task.clear_ibuf [dreg:s8], $0x2FFFF;
	_ =	strace $0x9FFFFFFF  }
0xc4: {  	(tm) =	ssettm $0x7FFFFFFF  }
0xc5: {  	_ =	shalt  }
tec
execute0_lowered:
.L_overlay_start_1:
0x0: {  	(tag) =	ssettag $0x1  }
0x1: {  	s1 =	rddreg [dreg:$0x0]  }
0x2: {  	s0 =	rddreg [dreg:$0x2];
	s2 =	srdreg.scid  }
0x3: {  	s3 =	stileid.u32;
	s4 =	simm.s32 $0x0;
	s19 =	simm.s32 $0x1  }
0x4: {  	s20 =	simm.s32 $0x4080;
	s21 =	simm.s32 $0x2;
	s22 =	simm.s32 $0xC080  }
0x5: {  	s2 =	sand.u32 $0x1, s2;
	s3 =	sshll.u32 s3, $0x1;
	[smem:$0x7FF] =	sst s4  }
0x6: {  	s6 =	sadd.s32 $0x400, s0;
	s3 =	sor.u32 s2, s3;
	s2 =	ssub.s32 $0x2, s2  }
0x7: {  	_ =	strace $0x80000047;
	s5 =	sshll.u32 s3, $0x9;
	s23 =	sshrl.u32 s2, $0x1  }
0x8: {  	s24 =	sshll.u32 s3, $0xD;
	s25 =	sshll.u32 s3, $0xF;
	s7 =	sor.u32 $0x40, s5  }
0x9: {  	s0 =	ssub.s32 s2, s23;
	s10 =	sadd.s32 s1, s24;
	s9 =	sadd.s32 s6, s25  }
0xa: {  	s13 =	sor.u32 $0x80, s5;
	s31 =	sor.u32 $0xC0, s5;
	[dreg:$0x4] =	wrdreg s10  }
0xb: {  	s23 =	simm.s32 $0x3;
	s26 =	sadd.s32 $0x800, s10;
	[dreg:$0x9] =	wrdreg s31  }
.Ltmp0:
0xc: {  	s30 =	sadd.s32 $0xC00, s10;
	[dreg:$0x6] =	wrdreg s26;
	(pc) =	sbr.rel .LBB2_1-.Ltmp0, $4  }
0xd: {  	s8 =	sshll.u32 s7, $0x4;
	s0 =	smax.u32 s0, $0x1;
	[dreg:$0x8] =	wrdreg s30  }
0xe: {  	s28 =	sshll.u32 s7, $0x6;
	s1 =	sadd.s32 s1, s8;
	[dreg:$0xa] =	wrdreg s0  }
0xf: {  	s24 =	simm.s32 $0x4;
	s29 =	sadd.s32 s6, s28;
	[dreg:$0x5] =	wrdreg s1  }
0x10: {  	v0 =	vimm.f32 $0.0e+00;
	s2 =	simm.s32 $0x0;
	[dreg:$0x7] =	wrdreg s29;
	s1 =	simm.s32 $0x80  }
.LBB2_16:
0x11: {  	_ =	swait.ge [sflag:s23], $0x8000  }
0x12: {  	[sflag:s23] =	ssyncset.done $0x0  }
0x13: {  	[sflag:s23] =	ssyncadd.s32 $0xFFFF8000  }
0x14: {  	_ =	swait.ge [sflag:s24], $0x8000  }
0x15: {  	s2 =	rddreg [dreg:$0xb]  }
0x16: {  	s0 =	rddreg [dreg:$0xa];
	s2 =	sadd.s32 $0x1, s2  }
0x17: {  	p0 =	sne.s32 s2, s0  }
.Ltmp1:
0x18: {  	_ = 	snop;
	(pc) =	sbr.rel @!p0 .LBB2_17-.Ltmp1, $3  }
0x19: {  	_ =	sdelay $0x1  }
0x1a: {  	[sflag:s24] =	ssyncset.done $0x0  }
0x1b: {  	s1 =	simm.s32 $0x80;
	[sflag:s24] =	ssyncadd.s32 $0xFFFF8000  }
.LBB2_1:
0x1c: {  	[dreg:$0xb] =	wrdreg s2  }
0x1d: {  	s0 =	rddreg [dreg:$0x4]  }
0x1e: {  	[tilespmem:s1], [sflag:$0x1] =	stream.linear.gather [hbm4b:s0+s4], $0x2000, $0x38;
	[tilespmem:$0x14080] =	vst v63  }
0x1f: {  	s28 =	rddreg [dreg:$0x5];
	s29 =	simm.s32 $0x2080  }
0x20: {  	[tilespmem:s29], [sflag:$0x2] =	stream.linear.gather [hbm4b:s28+s4], $0x2000, $0x38;
	[tilespmem:$0x14080] =	vst v63  }
0x21: {  	s30 =	rddreg [dreg:$0x1];
	s31 =	simm.s32 $0x5  }
0x22: {  	[tilespmem:s4], [sflag:$0x5] =	stream.linear.gather [hbm4b:s30+s4], $0x80, $0x38;
	[tilespmem:$0x14080] =	vst v63  }
0x23: {  	_ =	swait.ge [sflag:s31], $0x80  }
0x24: {  	[sflag:s31] =	ssyncset.done $0x0  }
0x25: {  	[sflag:s31] =	ssyncadd.s32 $0xFFFFFF80  }
0x26: {  	v1 =	vld [tilespmem:$0x0]  }
0x27: {  	v2 =	vld [tilespmem:$0x10]  }
0x28: {  	v3 =	vld [tilespmem:$0x20]  }
0x29: {  	v4 =	vld [tilespmem:$0x30]  }
0x2a: {  	v5 =	vld [tilespmem:$0x40]  }
0x2b: {  	v6 =	vld [tilespmem:$0x50]  }
0x2c: {  	s0 =	simm.s32 $0x40C0;
	v7 =	vld [tilespmem:$0x60]  }
0x2d: {  	v8 =	vld [tilespmem:$0x70];
	[tilespmem:s0+$0xFFFFFFC0] =	vst v0  }
0x2e: {  	[tilespmem:s0+$0x30] =	vst v0  }
0x2f: {  	[tilespmem:s0+$0x20] =	vst v0  }
0x30: {  	[tilespmem:s0+$0x10] =	vst v0  }
0x31: {  	[tilespmem:s0+$0x0] =	vst v0  }
0x32: {  	[tilespmem:s0+$0xFFFFFFF0] =	vst v0  }
0x33: {  	s2 =	simm.s32 $0x0;
	[tilespmem:s0+$0xFFFFFFE0] =	vst v0  }
.LBB2_2:
0x34: {  	s2 =	sadd.s32 $0x8, s2;
	[tilespmem:s0+$0xFFFFFFD0] =	vst v0;
	s0 =	sadd.s32 $0x80, s0  }
0x35: {  	[tilespmem:s0+$0xFFFFFFC0] =	vst v0;
	p0 =	slt.u32 s2, $0x7F8  }
0x36: {  	[tilespmem:s0+$0x30] =	vst v0  }
.Ltmp2:
0x37: {  	[tilespmem:s0+$0x20] =	vst v0;
	(pc) =	sbr.rel @p0 .LBB2_2-.Ltmp2, $4  }
0x38: {  	[tilespmem:s0+$0x10] =	vst v0  }
0x39: {  	[tilespmem:s0+$0x0] =	vst v0  }
0x3a: {  	[tilespmem:s0+$0xFFFFFFF0] =	vst v0  }
0x3b: {  	[tilespmem:s0+$0xFFFFFFE0] =	vst v0  }
0x3c: {  	[tilespmem:s0+$0xFFFFFFD0] =	vst v0  }
0x3d: {  	_ =	swait.ge [sflag:s19], $0x2000  }
0x3e: {  	[sflag:s19] =	ssyncset.done $0x0  }
0x3f: {  	s26 =	simm.s32 $0x200;
	s28 =	simm.s32 $0xA00;
	[sflag:s19] =	ssyncadd.s32 $0xFFFFE000  }
0x40: {  	s29 =	simm.s32 $0x600;
	v10 =	vadd.s32 s28, v1;
	v9 =	vld [tilespmem:s26+$0x100]  }
0x41: {  	s11 =	simm.s32 $0xC00;
	v14 =	vadd.s32 s29, v1;
	v13 =	vld [tilespmem:s26+$0x0]  }
0x42: {  	v12 =	vadd.s32 s11, v1;
	v11 =	vld [tilespmem:s26+$0x180]  }
0x43: {  	s16 =	simm.s32 $0x800  }
0x44: {  	s8 =	simm.s32 $0xE00;
	v18 =	vadd.s32 s16, v1;
	v17 =	vld [tilespmem:s26+$0x80]  }
0x45: {  	s0 =	simm.s32 $0x200;
	v15 =	vld [tilespmem:s26+$0x200];
	[tilespmem:v10+s20+$0x0] =	vst.idx.msk $0xffff, v9;
	v9 =	vadd.s32 s8, v1  }
0x46: {  	v20 =	vadd.s32 s0, v1;
	[tilespmem:v14+s20+$0x0] =	vst.idx.msk $0xffff, v13;
	v13 =	vld [tilespmem:s26+$0xFFFFFF00]  }
0x47: {  	v16 =	vadd.s32 s28, v2;
	[tilespmem:v12+s20+$0x0] =	vst.idx.msk $0xffff, v11;
	v10 =	vld [tilespmem:s26+$0x110]  }
0x48: {  	v12 =	vadd.s32 s11, v2;
	v19 =	vld [tilespmem:s26+$0x190]  }
0x49: {  	v14 =	vadd.s32 s29, v2;
	[tilespmem:v18+s20+$0x0] =	vst.idx.msk $0xffff, v17;
	v21 =	vld [tilespmem:s26+$0x10]  }
0x4a: {  	s3 =	simm.s32 $0x400;
	v18 =	vadd.s32 s16, v2;
	v17 =	vld [tilespmem:s26+$0x90];
	[tilespmem:v9+s20+$0x0] =	vst.idx.msk $0xffff, v15  }
0x4b: {  	s2 =	simm.s32 $0x0;
	v9 =	vadd.s32 s3, v1;
	v15 =	vld [tilespmem:s26+$0xFFFFFF80];
	[tilespmem:v20+s20+$0x0] =	vst.idx.msk $0xffff, v13  }
0x4c: {  	v11 =	vld [tilespmem:s26+$0xFFFFFE80];
	[tilespmem:v16+s20+$0x0] =	vst.idx.msk $0xffff, v10;
	v10 =	vadd.s32 s2, v1  }
0x4d: {  	v16 =	vld [tilespmem:s26+$0x210];
	[tilespmem:v12+s20+$0x0] =	vst.idx.msk $0xffff, v19;
	v12 =	vadd.s32 s8, v2  }
0x4e: {  	v20 =	vadd.s32 s0, v2;
	[tilespmem:v14+s20+$0x0] =	vst.idx.msk $0xffff, v21;
	v21 =	vld [tilespmem:s26+$0xFFFFFF10]  }
0x4f: {  	v14 =	vadd.s32 s11, v3;
	[tilespmem:v18+s20+$0x0] =	vst.idx.msk $0xffff, v17;
	v13 =	vld [tilespmem:s26+$0x1A0]  }
0x50: {  	v18 =	vadd.s32 s16, v3;
	v17 =	vld [tilespmem:s26+$0xA0];
	[tilespmem:v9+s20+$0x0] =	vst.idx.msk $0xffff, v15  }
0x51: {  	v9 =	vld [tilespmem:s26+$0x20];
	[tilespmem:v10+s20+$0x0] =	vst.idx.msk $0xffff, v11;
	v10 =	vadd.s32 s29, v3  }
0x52: {  	v11 =	vadd.s32 s3, v2;
	v15 =	vld [tilespmem:s26+$0xFFFFFF90];
	[tilespmem:v12+s20+$0x0] =	vst.idx.msk $0xffff, v16  }
0x53: {  	v19 =	vld [tilespmem:s26+$0x120];
	[tilespmem:v20+s20+$0x0] =	vst.idx.msk $0xffff, v21  }
0x54: {  	v16 =	vadd.s32 s2, v2;
	v12 =	vld [tilespmem:s26+$0xFFFFFE90];
	[tilespmem:v14+s20+$0x0] =	vst.idx.msk $0xffff, v13  }
0x55: {  	v13 =	vld [tilespmem:s26+$0x220];
	[tilespmem:v18+s20+$0x0] =	vst.idx.msk $0xffff, v17;
	v18 =	vadd.s32 s28, v3  }
0x56: {  	v14 =	vadd.s32 s8, v3;
	v20 =	vld [tilespmem:s26+$0x1B0];
	[tilespmem:v10+s20+$0x0] =	vst.idx.msk $0xffff, v9  }
0x57: {  	v9 =	vadd.s32 s11, v4;
	[tilespmem:v11+s20+$0x0] =	vst.idx.msk $0xffff, v15;
	v10 =	vld [tilespmem:s26+$0x30]  }
0x58: {  	v11 =	vadd.s32 s29, v4;
	v15 =	vld [tilespmem:s26+$0xFFFFFFA0]  }
0x59: {  	v21 =	vadd.s32 s3, v3;
	[tilespmem:v16+s20+$0x0] =	vst.idx.msk $0xffff, v12;
	v12 =	vld [tilespmem:s26+$0xB0]  }
0x5a: {  	v16 =	vadd.s32 s16, v4;
	[tilespmem:v18+s20+$0x0] =	vst.idx.msk $0xffff, v19;
	v17 =	vld [tilespmem:s26+$0xFFFFFEA0]  }
0x5b: {  	[tilespmem:v14+s20+$0x0] =	vst.idx.msk $0xffff, v13;
	v13 =	vadd.s32 s2, v3;
	v18 =	vld [tilespmem:s26+$0x130]  }
0x5c: {  	v19 =	vadd.s32 s28, v4;
	[tilespmem:v9+s20+$0x0] =	vst.idx.msk $0xffff, v20;
	v9 =	vld [tilespmem:s26+$0x230]  }
0x5d: {  	[tilespmem:v11+s20+$0x0] =	vst.idx.msk $0xffff, v10;
	v10 =	vld [tilespmem:s26+$0x1C0];
	v11 =	vadd.s32 s8, v4  }
0x5e: {  	[tilespmem:v21+s20+$0x0] =	vst.idx.msk $0xffff, v15;
	v15 =	vadd.s32 s11, v5;
	v14 =	vld [tilespmem:s26+$0x40]  }
0x5f: {  	v21 =	vadd.s32 s3, v4;
	[tilespmem:v16+s20+$0x0] =	vst.idx.msk $0xffff, v12;
	v20 =	vld [tilespmem:s26+$0xFFFFFFB0]  }
0x60: {  	v16 =	vadd.s32 s16, v5;
	v12 =	vld [tilespmem:s26+$0xC0];
	[tilespmem:v13+s20+$0x0] =	vst.idx.msk $0xffff, v17  }
0x61: {  	v13 =	vld [tilespmem:s26+$0xFFFFFF20];
	v17 =	vadd.s32 s0, v3;
	[tilespmem:v19+s20+$0x0] =	vst.idx.msk $0xffff, v18  }
0x62: {  	v19 =	vld [tilespmem:s26+$0x140];
	[tilespmem:v11+s20+$0x0] =	vst.idx.msk $0xffff, v9;
	v11 =	vadd.s32 s29, v5  }
0x63: {  	[tilespmem:v15+s20+$0x0] =	vst.idx.msk $0xffff, v10;
	v15 =	vadd.s32 s8, v5;
	v10 =	vld [tilespmem:s26+$0x240]  }
0x64: {  	v9 =	vld [tilespmem:s26+$0xFFFFFEB0];
	[tilespmem:v21+s20+$0x0] =	vst.idx.msk $0xffff, v20;
	v20 =	vadd.s32 s2, v4  }
0x65: {  	[tilespmem:v16+s20+$0x0] =	vst.idx.msk $0xffff, v12;
	v12 =	vld [tilespmem:s26+$0x1D0];
	v16 =	vadd.s32 s11, v6  }
0x66: {  	[tilespmem:v17+s20+$0x0] =	vst.idx.msk $0xffff, v13;
	v17 =	vadd.s32 s3, v5;
	v13 =	vld [tilespmem:s26+$0xFFFFFFC0]  }
0x67: {  	v21 =	vld [tilespmem:s26+$0xD0];
	[tilespmem:v11+s20+$0x0] =	vst.idx.msk $0xffff, v14;
	v11 =	vadd.s32 s16, v6  }
0x68: {  	v18 =	vld [tilespmem:s26+$0xFFFFFF30];
	v14 =	vadd.s32 s0, v4;
	[tilespmem:v15+s20+$0x0] =	vst.idx.msk $0xffff, v10  }
0x69: {  	[tilespmem:v20+s20+$0x0] =	vst.idx.msk $0xffff, v9;
	v10 =	vadd.s32 s8, v6;
	v9 =	vld [tilespmem:s26+$0x250]  }
0x6a: {  	v20 =	vadd.s32 s2, v5;
	[tilespmem:v16+s20+$0x0] =	vst.idx.msk $0xffff, v12;
	v15 =	vld [tilespmem:s26+$0xFFFFFEC0]  }
0x6b: {  	v16 =	vadd.s32 s11, v7;
	[tilespmem:v17+s20+$0x0] =	vst.idx.msk $0xffff, v13;
	v13 =	vld [tilespmem:s26+$0x1E0]  }
0x6c: {  	v12 =	vld [tilespmem:s26+$0xFFFFFFD0];
	[tilespmem:v11+s20+$0x0] =	vst.idx.msk $0xffff, v21;
	v21 =	vadd.s32 s28, v5  }
0x6d: {  	[tilespmem:v14+s20+$0x0] =	vst.idx.msk $0xffff, v18;
	v18 =	vadd.s32 s16, v7;
	v14 =	vld [tilespmem:s26+$0xE0]  }
0x6e: {  	v23 =	vadd.s32 s0, v5;
	v22 =	vld [tilespmem:s26+$0xFFFFFF40];
	[tilespmem:v10+s20+$0x0] =	vst.idx.msk $0xffff, v9  }
0x6f: {  	v11 =	vld [tilespmem:s26+$0x50];
	[tilespmem:v20+s20+$0x0] =	vst.idx.msk $0xffff, v15  }
0x70: {  	[tilespmem:v16+s20+$0x0] =	vst.idx.msk $0xffff, v13;
	v20 =	vadd.s32 s2, v6;
	v17 =	vld [tilespmem:s26+$0xFFFFFED0]  }
0x71: {  	v16 =	vld [tilespmem:s26+$0x260];
	[tilespmem:v21+s20+$0x0] =	vst.idx.msk $0xffff, v19;
	v19 =	vadd.s32 s8, v7  }
0x72: {  	v13 =	vld [tilespmem:s26+$0x1F0];
	[tilespmem:v18+s20+$0x0] =	vst.idx.msk $0xffff, v14;
	v14 =	vadd.s32 s11, v8  }
0x73: {  	s10 =	simm.s32 $0x0;
	v9 =	vadd.s32 s3, v6;
	[tilespmem:v23+s20+$0x0] =	vst.idx.msk $0xffff, v22;
	v15 =	vld [tilespmem:s26+$0x150];
	v18 =	vadd.s32 s28, v6;
	s11 =	simm.s32 $0x1800  }
.LBB2_4:
0x74: {  	s15 =	sadd.s32 $0xFFFFF800, s11;
	s7 =	sshra.s32 s11, $0x2;
	s10 =	sadd.s32 $0x8, s10;
	v21 =	vld [tilespmem:s26+$0xFFFFFF50]  }
0x75: {  	s18 =	sadd.s32 $0xFFFFFA00, s11;
	v10 =	vadd.s32 s15, v1;
	p0 =	slt.u32 s10, $0x38;
	[tilespmem:v20+s20+$0x0] =	vst.idx.msk $0xffff, v17;
	v17 =	vadd.s32 s0, v6;
	v20 =	vld [tilespmem:s26+$0xF0]  }
0x76: {  	s17 =	sadd.s32 $0xFFFFFC00, s11;
	v24 =	vadd.s32 s16, v8;
	s16 =	smov.u32 s11;
	v22 =	vadd.s32 s18, v1;
	v23 =	vld [tilespmem:s7+$0x100];
	[tilespmem:v19+s20+$0x0] =	vst.idx.msk $0xffff, v16  }
0x77: {  	s25 =	sadd.s32 $0xFFFFFE00, s11;
	v16 =	vadd.s32 s17, v1;
	v19 =	vadd.s32 s17, v6;
	[tilespmem:v14+s20+$0x0] =	vst.idx.msk $0xffff, v13;
	v13 =	vld [tilespmem:s26+$0x270];
	v14 =	vadd.s32 s8, v8  }
0x78: {  	v27 =	vadd.s32 s29, v6;
	v25 =	vadd.s32 s25, v1;
	v26 =	vld [tilespmem:s7+$0x180];
	[tilespmem:v18+s20+$0x0] =	vst.idx.msk $0xffff, v15  }
0x79: {  	s30 =	sadd.s32 $0x200, s11;
	v31 =	vadd.s32 s0, v7;
	v18 =	vadd.s32 s11, v1;
	v15 =	vld [tilespmem:s7+$0x0];
	[tilespmem:v9+s20+$0x0] =	vst.idx.msk $0xffff, v12;
	v9 =	vmov v19  }
0x7a: {  	s12 =	sadd.s32 $0x400, s11;
	v12 =	vadd.s32 s30, v1;
	v19 =	vadd.s32 s3, v7;
	[tilespmem:v17+s20+$0x0] =	vst.idx.msk $0xffff, v21;
	v17 =	vld [tilespmem:s26+$0xFFFFFFE0]  }
0x7b: {  	s8 =	sadd.s32 $0x600, s11;
	v21 =	vadd.s32 s12, v1;
	[tilespmem:v24+s20+$0x0] =	vst.idx.msk $0xffff, v20;
	v20 =	vld [tilespmem:s26+$0x160];
	v24 =	vadd.s32 s28, v7  }
0x7c: {  	v28 =	vadd.s32 s18, v2;
	v29 =	vadd.s32 s8, v1;
	v30 =	vld [tilespmem:s26+$0xFFFFFF60];
	[tilespmem:v14+s20+$0x0] =	vst.idx.msk $0xffff, v13  }
0x7d: {  	v32 =	vadd.s32 s2, v7;
	v13 =	vadd.s32 s17, v2;
	v14 =	vld [tilespmem:s26+$0xFFFFFEE0];
	[tilespmem:v27+s20+$0x0] =	vst.idx.msk $0xffff, v11  }
0x7e: {  	v11 =	vadd.s32 s25, v2;
	[tilespmem:v25+s20+$0x0] =	vst.idx.msk $0xffff, v15;
	v15 =	vld [tilespmem:s26+$0x60];
	v25 =	vadd.s32 s29, v7  }
0x7f: {  	v27 =	vld [tilespmem:s7+$0x200];
	[tilespmem:v19+s20+$0x0] =	vst.idx.msk $0xffff, v17  }
0x80: {  	v33 =	vadd.s32 s3, v8;
	s3 =	smov.u32 s17;
	v17 =	vadd.s32 s30, v2;
	v19 =	vld [tilespmem:s26+$0xFFFFFFF0];
	[tilespmem:v24+s20+$0x0] =	vst.idx.msk $0xffff, v20  }
0x81: {  	v20 =	vadd.s32 s12, v2;
	[tilespmem:v31+s20+$0x0] =	vst.idx.msk $0xffff, v30;
	v24 =	vld [tilespmem:s26+$0x170]  }
0x82: {  	v30 =	vadd.s32 s8, v2;
	v31 =	vadd.s32 s28, v8;
	s28 =	smov.u32 s30;
	[tilespmem:v32+s20+$0x0] =	vst.idx.msk $0xffff, v14;
	v14 =	vld [tilespmem:s26+$0xFFFFFF70]  }
0x83: {  	v34 =	vadd.s32 s0, v8;
	s0 =	smov.u32 s18;
	v32 =	vld [tilespmem:s26+$0xFFFFFEF0];
	[tilespmem:v25+s20+$0x0] =	vst.idx.msk $0xffff, v15  }
0x84: {  	[tilespmem:v12+s20+$0x0] =	vst.idx.msk $0xffff, v23;
	v12 =	vld [tilespmem:s26+$0x70];
	s26 =	smov.u32 s7  }
0x85: {  	v23 =	vadd.s32 s2, v8;
	s2 =	smov.u32 s15;
	v15 =	vld [tilespmem:s26+$0x110];
	[tilespmem:v33+s20+$0x0] =	vst.idx.msk $0xffff, v19;
	v19 =	vadd.s32 s29, v8;
	s29 =	smov.u32 s25  }
0x86: {  	v25 =	vld [tilespmem:s26+$0x80];
	[tilespmem:v21+s20+$0x0] =	vst.idx.msk $0xffff, v26  }
0x87: {  	v21 =	vld [tilespmem:s26+$0xFFFFFE80];
	[tilespmem:v31+s20+$0x0] =	vst.idx.msk $0xffff, v24  }
0x88: {  	v24 =	vld [tilespmem:s26+$0x10];
	[tilespmem:v34+s20+$0x0] =	vst.idx.msk $0xffff, v14  }
0x89: {  	v14 =	vld [tilespmem:s26+$0x190];
	[tilespmem:v29+s20+$0x0] =	vst.idx.msk $0xffff, v27  }
0x8a: {  	v26 =	vld [tilespmem:s26+$0xFFFFFF00];
	[tilespmem:v19+s20+$0x0] =	vst.idx.msk $0xffff, v12  }
0x8b: {  	v12 =	vld [tilespmem:s26+$0x210];
	[tilespmem:v23+s20+$0x0] =	vst.idx.msk $0xffff, v32  }
0x8c: {  	v19 =	vld [tilespmem:s26+$0xFFFFFF80];
	[tilespmem:v17+s20+$0x0] =	vst.idx.msk $0xffff, v15  }
0x8d: {  	[tilespmem:v18+s20+$0x0] =	vst.idx.msk $0xffff, v25;
	v15 =	vld [tilespmem:s26+$0x120]  }
0x8e: {  	v18 =	vadd.s32 s11, v2;
	v17 =	vld [tilespmem:s26+$0x90];
	[tilespmem:v20+s20+$0x0] =	vst.idx.msk $0xffff, v14  }
0x8f: {  	[tilespmem:v22+s20+$0x0] =	vst.idx.msk $0xffff, v26;
	v14 =	vld [tilespmem:s26+$0x1A0]  }
0x90: {  	v20 =	vld [tilespmem:s26+$0xFFFFFF10];
	[tilespmem:v11+s20+$0x0] =	vst.idx.msk $0xffff, v24;
	v11 =	vadd.s32 s12, v3  }
0x91: {  	[tilespmem:v16+s20+$0x0] =	vst.idx.msk $0xffff, v19;
	v16 =	vld [tilespmem:s26+$0x20]  }
0x92: {  	v19 =	vadd.s32 s29, v3;
	[tilespmem:v10+s20+$0x0] =	vst.idx.msk $0xffff, v21;
	v10 =	vld [tilespmem:s26+$0xFFFFFF90]  }
0x93: {  	v21 =	vld [tilespmem:s26+$0xFFFFFE90];
	[tilespmem:v18+s20+$0x0] =	vst.idx.msk $0xffff, v17  }
0x94: {  	v18 =	vadd.s32 s11, v3;
	v17 =	vld [tilespmem:s26+$0xA0];
	[tilespmem:v30+s20+$0x0] =	vst.idx.msk $0xffff, v12  }
0x95: {  	v12 =	vadd.s32 s2, v2;
	[tilespmem:v11+s20+$0x0] =	vst.idx.msk $0xffff, v14;
	v11 =	vld [tilespmem:s26+$0x220]  }
0x96: {  	[tilespmem:v28+s20+$0x0] =	vst.idx.msk $0xffff, v20;
	v14 =	vld [tilespmem:s26+$0x1B0];
	v20 =	vadd.s32 s8, v3  }
0x97: {  	[tilespmem:v19+s20+$0x0] =	vst.idx.msk $0xffff, v16;
	v16 =	vadd.s32 s12, v4  }
0x98: {  	[tilespmem:v13+s20+$0x0] =	vst.idx.msk $0xffff, v10;
	v10 =	vld [tilespmem:s26+$0x30];
	v13 =	vadd.s32 s29, v4  }
0x99: {  	v22 =	vadd.s32 s3, v3;
	v19 =	vld [tilespmem:s26+$0xFFFFFFA0];
	[tilespmem:v18+s20+$0x0] =	vst.idx.msk $0xffff, v17  }
0x9a: {  	v17 =	vadd.s32 s11, v4;
	[tilespmem:v12+s20+$0x0] =	vst.idx.msk $0xffff, v21;
	v12 =	vld [tilespmem:s26+$0xB0]  }
0x9b: {  	v21 =	vadd.s32 s28, v3;
	v18 =	vld [tilespmem:s26+$0xFFFFFEA0];
	[tilespmem:v20+s20+$0x0] =	vst.idx.msk $0xffff, v11  }
0x9c: {  	v11 =	vadd.s32 s2, v3;
	[tilespmem:v16+s20+$0x0] =	vst.idx.msk $0xffff, v14;
	v14 =	vld [tilespmem:s26+$0x230]  }
0x9d: {  	[tilespmem:v13+s20+$0x0] =	vst.idx.msk $0xffff, v10;
	v10 =	vld [tilespmem:s26+$0x1C0];
	v13 =	vadd.s32 s8, v4  }
0x9e: {  	[tilespmem:v22+s20+$0x0] =	vst.idx.msk $0xffff, v19;
	v16 =	vld [tilespmem:s26+$0x40];
	v19 =	vadd.s32 s12, v5  }
0x9f: {  	v22 =	vadd.s32 s3, v4;
	v20 =	vld [tilespmem:s26+$0xFFFFFFB0];
	[tilespmem:v17+s20+$0x0] =	vst.idx.msk $0xffff, v12  }
0xa0: {  	v17 =	vadd.s32 s11, v5;
	v12 =	vld [tilespmem:s26+$0xC0];
	[tilespmem:v21+s20+$0x0] =	vst.idx.msk $0xffff, v15  }
0xa1: {  	v15 =	vadd.s32 s0, v3;
	[tilespmem:v11+s20+$0x0] =	vst.idx.msk $0xffff, v18;
	v11 =	vld [tilespmem:s26+$0xFFFFFF20]  }
0xa2: {  	v21 =	vadd.s32 s28, v4;
	v18 =	vld [tilespmem:s26+$0x130];
	[tilespmem:v13+s20+$0x0] =	vst.idx.msk $0xffff, v14  }
0xa3: {  	v14 =	vadd.s32 s29, v5;
	v13 =	vld [tilespmem:s26+$0xFFFFFEB0];
	[tilespmem:v19+s20+$0x0] =	vst.idx.msk $0xffff, v10  }
0xa4: {  	v19 =	vadd.s32 s8, v5;
	[tilespmem:v22+s20+$0x0] =	vst.idx.msk $0xffff, v20;
	v10 =	vld [tilespmem:s26+$0x240]  }
0xa5: {  	v20 =	vadd.s32 s2, v4;
	[tilespmem:v17+s20+$0x0] =	vst.idx.msk $0xffff, v12;
	v12 =	vld [tilespmem:s26+$0x1D0]  }
0xa6: {  	[tilespmem:v15+s20+$0x0] =	vst.idx.msk $0xffff, v11;
	v11 =	vld [tilespmem:s26+$0xFFFFFFC0];
	v15 =	vadd.s32 s12, v6  }
0xa7: {  	v17 =	vadd.s32 s3, v5;
	v22 =	vld [tilespmem:s26+$0xD0];
	[tilespmem:v21+s20+$0x0] =	vst.idx.msk $0xffff, v18  }
0xa8: {  	v18 =	vld [tilespmem:s26+$0xFFFFFF30];
	[tilespmem:v14+s20+$0x0] =	vst.idx.msk $0xffff, v16;
	v14 =	vadd.s32 s11, v6  }
0xa9: {  	v16 =	vadd.s32 s0, v4;
	v21 =	vld [tilespmem:s26+$0x140];
	[tilespmem:v19+s20+$0x0] =	vst.idx.msk $0xffff, v10  }
0xaa: {  	[tilespmem:v20+s20+$0x0] =	vst.idx.msk $0xffff, v13;
	v10 =	vld [tilespmem:s26+$0x250];
	v13 =	vadd.s32 s8, v6  }
0xab: {  	v20 =	vadd.s32 s2, v5;
	v19 =	vld [tilespmem:s26+$0xFFFFFEC0];
	[tilespmem:v15+s20+$0x0] =	vst.idx.msk $0xffff, v12  }
0xac: {  	v23 =	vadd.s32 s12, v7;
	[tilespmem:v17+s20+$0x0] =	vst.idx.msk $0xffff, v11;
	v15 =	vld [tilespmem:s26+$0x1E0]  }
0xad: {  	v12 =	vld [tilespmem:s26+$0xFFFFFFD0];
	[tilespmem:v14+s20+$0x0] =	vst.idx.msk $0xffff, v22;
	v14 =	vadd.s32 s28, v5  }
0xae: {  	v22 =	vadd.s32 s11, v7;
	[tilespmem:v16+s20+$0x0] =	vst.idx.msk $0xffff, v18;
	v18 =	vld [tilespmem:s26+$0xE0]  }
0xaf: {  	v25 =	vadd.s32 s0, v5;
	v24 =	vld [tilespmem:s26+$0xFFFFFF40];
	[tilespmem:v13+s20+$0x0] =	vst.idx.msk $0xffff, v10  }
.Ltmp3:
0xb0: {  	[tilespmem:v20+s20+$0x0] =	vst.idx.msk $0xffff, v19;
	v11 =	vld [tilespmem:s26+$0x50];
	(pc) =	sbr.rel @p0 .LBB2_4-.Ltmp3, $4  }
0xb1: {  	v20 =	vadd.s32 s2, v6;
	v17 =	vld [tilespmem:s26+$0xFFFFFED0];
	[tilespmem:v23+s20+$0x0] =	vst.idx.msk $0xffff, v15  }
0xb2: {  	v19 =	vadd.s32 s8, v7;
	[tilespmem:v14+s20+$0x0] =	vst.idx.msk $0xffff, v21;
	v16 =	vld [tilespmem:s26+$0x260]  }
0xb3: {  	v14 =	vadd.s32 s12, v8;
	[tilespmem:v22+s20+$0x0] =	vst.idx.msk $0xffff, v18;
	v13 =	vld [tilespmem:s26+$0x1F0]  }
0xb4: {  	s11 =	sadd.s32 $0x1000, s11;
	v18 =	vadd.s32 s28, v6;
	[tilespmem:v25+s20+$0x0] =	vst.idx.msk $0xffff, v24;
	v15 =	vld [tilespmem:s26+$0x150]  }
0xb5: {  	_ =	sdelay $0x3  }
0xb6: {  	v10 =	vld [tilespmem:s26+$0xFFFFFF50];
	v21 =	vadd.s32 s0, v6;
	[tilespmem:v9+s20+$0x0] =	vst.idx.msk $0xffff, v12  }
0xb7: {  	v47 =	vadd.s32 s29, v6;
	[tilespmem:v20+s20+$0x0] =	vst.idx.msk $0xffff, v17  }
0xb8: {  	v48 =	vld [tilespmem:s26+$0xF0];
	v49 =	vadd.s32 s16, v8;
	[tilespmem:v19+s20+$0x0] =	vst.idx.msk $0xffff, v16  }
0xb9: {  	v50 =	vadd.s32 s3, v7;
	v9 =	vld [tilespmem:s26+$0xFFFFFFE0];
	[tilespmem:v14+s20+$0x0] =	vst.idx.msk $0xffff, v13  }
0xba: {  	v56 =	vadd.s32 s2, v7;
	v55 =	vld [tilespmem:s26+$0xFFFFFEE0];
	[tilespmem:v18+s20+$0x0] =	vst.idx.msk $0xffff, v15  }
0xbb: {  	v51 =	vadd.s32 s28, v7;
	[tilespmem:v21+s20+$0x0] =	vst.idx.msk $0xffff, v10;
	v10 =	vld [tilespmem:s26+$0x160]  }
0xbc: {  	v53 =	vadd.s32 s0, v7;
	[tilespmem:v47+s20+$0x0] =	vst.idx.msk $0xffff, v11;
	v52 =	vld [tilespmem:s26+$0xFFFFFF60]  }
0xbd: {  	v54 =	vadd.s32 s29, v7;
	[tilespmem:v49+s20+$0x0] =	vst.idx.msk $0xffff, v48;
	v11 =	vld [tilespmem:s26+$0x60]  }
0xbe: {  	v58 =	vadd.s32 s8, v8;
	v57 =	vld [tilespmem:s26+$0x270];
	[tilespmem:v50+s20+$0x0] =	vst.idx.msk $0xffff, v9  }
0xbf: {  	v59 =	vadd.s32 s3, v8;
	v9 =	vld [tilespmem:s26+$0xFFFFFFF0];
	[tilespmem:v56+s20+$0x0] =	vst.idx.msk $0xffff, v55  }
0xc0: {  	v63 =	vadd.s32 s2, v8;
	v14 =	vld [tilespmem:s26+$0xFFFFFEF0];
	[tilespmem:v51+s20+$0x0] =	vst.idx.msk $0xffff, v10  }
0xc1: {  	v60 =	vadd.s32 s28, v8;
	[tilespmem:v53+s20+$0x0] =	vst.idx.msk $0xffff, v52;
	v10 =	vld [tilespmem:s26+$0x170]  }
0xc2: {  	v61 =	vadd.s32 s0, v8;
	[tilespmem:v54+s20+$0x0] =	vst.idx.msk $0xffff, v11;
	v18 =	vld [tilespmem:s26+$0xFFFFFF70]  }
0xc3: {  	v62 =	vadd.s32 s29, v8;
	[tilespmem:v58+s20+$0x0] =	vst.idx.msk $0xffff, v57;
	v11 =	vld [tilespmem:s26+$0x70]  }
0xc4: {  	[tilespmem:v59+s20+$0x0] =	vst.idx.msk $0xffff, v9  }
0xc5: {  	[tilespmem:v63+s20+$0x0] =	vst.idx.msk $0xffff, v14  }
0xc6: {  	[tilespmem:v60+s20+$0x0] =	vst.idx.msk $0xffff, v10  }
0xc7: {  	[tilespmem:v61+s20+$0x0] =	vst.idx.msk $0xffff, v18  }
0xc8: {  	[tilespmem:v62+s20+$0x0] =	vst.idx.msk $0xffff, v11  }
0xc9: {  	[hbm4b:s9+s4] =	stream.linear.scatter [tilespmem:s20], [sflag:$0x3], $0x8000, $0x38;
	[tilespmem:$0x14080] =	vst v63  }
0xca: {  	s0 =	simm.s32 $0xC0C0;
	s31 =	rddreg [dreg:$0x6]  }
0xcb: {  	[tilespmem:s1], [sflag:$0x1] =	stream.linear.gather [hbm4b:s31+s4], $0x2000, $0x38;
	[tilespmem:$0x14080] =	vst v63  }
0xcc: {  	[tilespmem:s0+$0xFFFFFFC0] =	vst v0  }
0xcd: {  	[tilespmem:s0+$0x30] =	vst v0  }
0xce: {  	[tilespmem:s0+$0x20] =	vst v0  }
0xcf: {  	[tilespmem:s0+$0x10] =	vst v0  }
0xd0: {  	[tilespmem:s0+$0x0] =	vst v0  }
0xd1: {  	[tilespmem:s0+$0xFFFFFFF0] =	vst v0  }
0xd2: {  	s2 =	simm.s32 $0x0;
	[tilespmem:s0+$0xFFFFFFE0] =	vst v0  }
.LBB2_6:
0xd3: {  	s2 =	sadd.s32 $0x8, s2;
	[tilespmem:s0+$0xFFFFFFD0] =	vst v0;
	s0 =	sadd.s32 $0x80, s0  }
0xd4: {  	[tilespmem:s0+$0xFFFFFFC0] =	vst v0;
	p0 =	slt.u32 s2, $0x7F8  }
0xd5: {  	[tilespmem:s0+$0x30] =	vst v0  }
.Ltmp4:
0xd6: {  	[tilespmem:s0+$0x20] =	vst v0;
	(pc) =	sbr.rel @p0 .LBB2_6-.Ltmp4, $4  }
0xd7: {  	[tilespmem:s0+$0x10] =	vst v0  }
0xd8: {  	[tilespmem:s0+$0x0] =	vst v0  }
0xd9: {  	[tilespmem:s0+$0xFFFFFFF0] =	vst v0  }
0xda: {  	[tilespmem:s0+$0xFFFFFFE0] =	vst v0  }
0xdb: {  	[tilespmem:s0+$0xFFFFFFD0] =	vst v0  }
0xdc: {  	_ =	swait.ge [sflag:s21], $0x2000  }
0xdd: {  	[sflag:s21] =	ssyncset.done $0x0  }
0xde: {  	s26 =	simm.s32 $0x200;
	s28 =	simm.s32 $0xA00;
	[sflag:s21] =	ssyncadd.s32 $0xFFFFE000  }
0xdf: {  	s29 =	simm.s32 $0x600;
	v10 =	vadd.s32 s28, v1;
	v9 =	vld [tilespmem:s26+$0x2100]  }
0xe0: {  	s11 =	simm.s32 $0xC00;
	v14 =	vadd.s32 s29, v1;
	v13 =	vld [tilespmem:s26+$0x2000]  }
0xe1: {  	v12 =	vadd.s32 s11, v1;
	v11 =	vld [tilespmem:s26+$0x2180]  }
0xe2: {  	s16 =	simm.s32 $0x800  }
0xe3: {  	s8 =	simm.s32 $0xE00;
	v18 =	vadd.s32 s16, v1;
	v17 =	vld [tilespmem:s26+$0x2080]  }
0xe4: {  	s0 =	simm.s32 $0x200;
	v15 =	vld [tilespmem:s26+$0x2200];
	[tilespmem:v10+s22+$0x0] =	vst.idx.msk $0xffff, v9;
	v9 =	vadd.s32 s8, v1  }
0xe5: {  	v20 =	vadd.s32 s0, v1;
	[tilespmem:v14+s22+$0x0] =	vst.idx.msk $0xffff, v13;
	v13 =	vld [tilespmem:s26+$0x1F00]  }
0xe6: {  	v16 =	vadd.s32 s28, v2;
	[tilespmem:v12+s22+$0x0] =	vst.idx.msk $0xffff, v11;
	v10 =	vld [tilespmem:s26+$0x2110]  }
0xe7: {  	v12 =	vadd.s32 s11, v2;
	v19 =	vld [tilespmem:s26+$0x2190]  }
0xe8: {  	v14 =	vadd.s32 s29, v2;
	[tilespmem:v18+s22+$0x0] =	vst.idx.msk $0xffff, v17;
	v21 =	vld [tilespmem:s26+$0x2010]  }
0xe9: {  	s3 =	simm.s32 $0x400;
	v18 =	vadd.s32 s16, v2;
	v17 =	vld [tilespmem:s26+$0x2090];
	[tilespmem:v9+s22+$0x0] =	vst.idx.msk $0xffff, v15  }
0xea: {  	s2 =	simm.s32 $0x0;
	v9 =	vadd.s32 s3, v1;
	v15 =	vld [tilespmem:s26+$0x1F80];
	[tilespmem:v20+s22+$0x0] =	vst.idx.msk $0xffff, v13  }
0xeb: {  	v11 =	vld [tilespmem:s26+$0x1E80];
	[tilespmem:v16+s22+$0x0] =	vst.idx.msk $0xffff, v10;
	v10 =	vadd.s32 s2, v1  }
0xec: {  	v16 =	vld [tilespmem:s26+$0x2210];
	[tilespmem:v12+s22+$0x0] =	vst.idx.msk $0xffff, v19;
	v12 =	vadd.s32 s8, v2  }
0xed: {  	v20 =	vadd.s32 s0, v2;
	[tilespmem:v14+s22+$0x0] =	vst.idx.msk $0xffff, v21;
	v21 =	vld [tilespmem:s26+$0x1F10]  }
0xee: {  	v14 =	vadd.s32 s11, v3;
	[tilespmem:v18+s22+$0x0] =	vst.idx.msk $0xffff, v17;
	v13 =	vld [tilespmem:s26+$0x21A0]  }
0xef: {  	v18 =	vadd.s32 s16, v3;
	v17 =	vld [tilespmem:s26+$0x20A0];
	[tilespmem:v9+s22+$0x0] =	vst.idx.msk $0xffff, v15  }
0xf0: {  	v9 =	vld [tilespmem:s26+$0x2020];
	[tilespmem:v10+s22+$0x0] =	vst.idx.msk $0xffff, v11;
	v10 =	vadd.s32 s29, v3  }
0xf1: {  	v11 =	vadd.s32 s3, v2;
	v15 =	vld [tilespmem:s26+$0x1F90];
	[tilespmem:v12+s22+$0x0] =	vst.idx.msk $0xffff, v16  }
0xf2: {  	v19 =	vld [tilespmem:s26+$0x2120];
	[tilespmem:v20+s22+$0x0] =	vst.idx.msk $0xffff, v21  }
0xf3: {  	v16 =	vadd.s32 s2, v2;
	v12 =	vld [tilespmem:s26+$0x1E90];
	[tilespmem:v14+s22+$0x0] =	vst.idx.msk $0xffff, v13  }
0xf4: {  	v13 =	vld [tilespmem:s26+$0x2220];
	[tilespmem:v18+s22+$0x0] =	vst.idx.msk $0xffff, v17;
	v18 =	vadd.s32 s28, v3  }
0xf5: {  	v14 =	vadd.s32 s8, v3;
	v20 =	vld [tilespmem:s26+$0x21B0];
	[tilespmem:v10+s22+$0x0] =	vst.idx.msk $0xffff, v9  }
0xf6: {  	v9 =	vadd.s32 s11, v4;
	[tilespmem:v11+s22+$0x0] =	vst.idx.msk $0xffff, v15;
	v10 =	vld [tilespmem:s26+$0x2030]  }
0xf7: {  	v11 =	vadd.s32 s29, v4;
	v15 =	vld [tilespmem:s26+$0x1FA0]  }
0xf8: {  	v21 =	vadd.s32 s3, v3;
	[tilespmem:v16+s22+$0x0] =	vst.idx.msk $0xffff, v12;
	v12 =	vld [tilespmem:s26+$0x20B0]  }
0xf9: {  	v16 =	vadd.s32 s16, v4;
	[tilespmem:v18+s22+$0x0] =	vst.idx.msk $0xffff, v19;
	v17 =	vld [tilespmem:s26+$0x1EA0]  }
0xfa: {  	[tilespmem:v14+s22+$0x0] =	vst.idx.msk $0xffff, v13;
	v13 =	vadd.s32 s2, v3;
	v18 =	vld [tilespmem:s26+$0x2130]  }
0xfb: {  	v19 =	vadd.s32 s28, v4;
	[tilespmem:v9+s22+$0x0] =	vst.idx.msk $0xffff, v20;
	v9 =	vld [tilespmem:s26+$0x2230]  }
0xfc: {  	[tilespmem:v11+s22+$0x0] =	vst.idx.msk $0xffff, v10;
	v10 =	vld [tilespmem:s26+$0x21C0];
	v11 =	vadd.s32 s8, v4  }
0xfd: {  	[tilespmem:v21+s22+$0x0] =	vst.idx.msk $0xffff, v15;
	v15 =	vadd.s32 s11, v5;
	v14 =	vld [tilespmem:s26+$0x2040]  }
0xfe: {  	v21 =	vadd.s32 s3, v4;
	[tilespmem:v16+s22+$0x0] =	vst.idx.msk $0xffff, v12;
	v20 =	vld [tilespmem:s26+$0x1FB0]  }
0xff: {  	v16 =	vadd.s32 s16, v5;
	v12 =	vld [tilespmem:s26+$0x20C0];
	[tilespmem:v13+s22+$0x0] =	vst.idx.msk $0xffff, v17  }
0x100: {  	v13 =	vld [tilespmem:s26+$0x1F20];
	v17 =	vadd.s32 s0, v3;
	[tilespmem:v19+s22+$0x0] =	vst.idx.msk $0xffff, v18  }
0x101: {  	v19 =	vld [tilespmem:s26+$0x2140];
	[tilespmem:v11+s22+$0x0] =	vst.idx.msk $0xffff, v9;
	v11 =	vadd.s32 s29, v5  }
0x102: {  	[tilespmem:v15+s22+$0x0] =	vst.idx.msk $0xffff, v10;
	v15 =	vadd.s32 s8, v5;
	v10 =	vld [tilespmem:s26+$0x2240]  }
0x103: {  	v9 =	vld [tilespmem:s26+$0x1EB0];
	[tilespmem:v21+s22+$0x0] =	vst.idx.msk $0xffff, v20;
	v20 =	vadd.s32 s2, v4  }
0x104: {  	[tilespmem:v16+s22+$0x0] =	vst.idx.msk $0xffff, v12;
	v12 =	vld [tilespmem:s26+$0x21D0];
	v16 =	vadd.s32 s11, v6  }
0x105: {  	[tilespmem:v17+s22+$0x0] =	vst.idx.msk $0xffff, v13;
	v17 =	vadd.s32 s3, v5;
	v13 =	vld [tilespmem:s26+$0x1FC0]  }
0x106: {  	v21 =	vld [tilespmem:s26+$0x20D0];
	[tilespmem:v11+s22+$0x0] =	vst.idx.msk $0xffff, v14;
	v11 =	vadd.s32 s16, v6  }
0x107: {  	v18 =	vld [tilespmem:s26+$0x1F30];
	v14 =	vadd.s32 s0, v4;
	[tilespmem:v15+s22+$0x0] =	vst.idx.msk $0xffff, v10  }
0x108: {  	[tilespmem:v20+s22+$0x0] =	vst.idx.msk $0xffff, v9;
	v10 =	vadd.s32 s8, v6;
	v9 =	vld [tilespmem:s26+$0x2250]  }
0x109: {  	v20 =	vadd.s32 s2, v5;
	[tilespmem:v16+s22+$0x0] =	vst.idx.msk $0xffff, v12;
	v15 =	vld [tilespmem:s26+$0x1EC0]  }
0x10a: {  	v16 =	vadd.s32 s11, v7;
	[tilespmem:v17+s22+$0x0] =	vst.idx.msk $0xffff, v13;
	v13 =	vld [tilespmem:s26+$0x21E0]  }
0x10b: {  	v12 =	vld [tilespmem:s26+$0x1FD0];
	[tilespmem:v11+s22+$0x0] =	vst.idx.msk $0xffff, v21;
	v21 =	vadd.s32 s28, v5  }
0x10c: {  	[tilespmem:v14+s22+$0x0] =	vst.idx.msk $0xffff, v18;
	v18 =	vadd.s32 s16, v7;
	v14 =	vld [tilespmem:s26+$0x20E0]  }
0x10d: {  	v23 =	vadd.s32 s0, v5;
	v22 =	vld [tilespmem:s26+$0x1F40];
	[tilespmem:v10+s22+$0x0] =	vst.idx.msk $0xffff, v9  }
0x10e: {  	v11 =	vld [tilespmem:s26+$0x2050];
	[tilespmem:v20+s22+$0x0] =	vst.idx.msk $0xffff, v15  }
0x10f: {  	[tilespmem:v16+s22+$0x0] =	vst.idx.msk $0xffff, v13;
	v20 =	vadd.s32 s2, v6;
	v17 =	vld [tilespmem:s26+$0x1ED0]  }
0x110: {  	v16 =	vld [tilespmem:s26+$0x2260];
	[tilespmem:v21+s22+$0x0] =	vst.idx.msk $0xffff, v19;
	v19 =	vadd.s32 s8, v7  }
0x111: {  	v13 =	vld [tilespmem:s26+$0x21F0];
	[tilespmem:v18+s22+$0x0] =	vst.idx.msk $0xffff, v14;
	v14 =	vadd.s32 s11, v8  }
0x112: {  	s10 =	simm.s32 $0x0;
	v9 =	vadd.s32 s3, v6;
	[tilespmem:v23+s22+$0x0] =	vst.idx.msk $0xffff, v22;
	v15 =	vld [tilespmem:s26+$0x2150];
	v18 =	vadd.s32 s28, v6;
	s11 =	simm.s32 $0x1800  }
.LBB2_8:
0x113: {  	s15 =	sadd.s32 $0xFFFFF800, s11;
	s7 =	sshra.s32 s11, $0x2;
	s10 =	sadd.s32 $0x8, s10;
	v21 =	vld [tilespmem:s26+$0x1F50]  }
0x114: {  	s18 =	sadd.s32 $0xFFFFFA00, s11;
	v10 =	vadd.s32 s15, v1;
	p0 =	slt.u32 s10, $0x38;
	[tilespmem:v20+s22+$0x0] =	vst.idx.msk $0xffff, v17;
	v17 =	vadd.s32 s0, v6;
	v20 =	vld [tilespmem:s26+$0x20F0]  }
0x115: {  	s17 =	sadd.s32 $0xFFFFFC00, s11;
	v24 =	vadd.s32 s16, v8;
	s16 =	smov.u32 s11;
	v22 =	vadd.s32 s18, v1;
	v23 =	vld [tilespmem:s7+$0x2100];
	[tilespmem:v19+s22+$0x0] =	vst.idx.msk $0xffff, v16  }
0x116: {  	s25 =	sadd.s32 $0xFFFFFE00, s11;
	v16 =	vadd.s32 s17, v1;
	v19 =	vadd.s32 s17, v6;
	[tilespmem:v14+s22+$0x0] =	vst.idx.msk $0xffff, v13;
	v13 =	vld [tilespmem:s26+$0x2270];
	v14 =	vadd.s32 s8, v8  }
0x117: {  	v27 =	vadd.s32 s29, v6;
	v25 =	vadd.s32 s25, v1;
	v26 =	vld [tilespmem:s7+$0x2180];
	[tilespmem:v18+s22+$0x0] =	vst.idx.msk $0xffff, v15  }
0x118: {  	s30 =	sadd.s32 $0x200, s11;
	v31 =	vadd.s32 s0, v7;
	v18 =	vadd.s32 s11, v1;
	v15 =	vld [tilespmem:s7+$0x2000];
	[tilespmem:v9+s22+$0x0] =	vst.idx.msk $0xffff, v12;
	v9 =	vmov v19  }
0x119: {  	s12 =	sadd.s32 $0x400, s11;
	v12 =	vadd.s32 s30, v1;
	v19 =	vadd.s32 s3, v7;
	[tilespmem:v17+s22+$0x0] =	vst.idx.msk $0xffff, v21;
	v17 =	vld [tilespmem:s26+$0x1FE0]  }
0x11a: {  	s8 =	sadd.s32 $0x600, s11;
	v21 =	vadd.s32 s12, v1;
	[tilespmem:v24+s22+$0x0] =	vst.idx.msk $0xffff, v20;
	v20 =	vld [tilespmem:s26+$0x2160];
	v24 =	vadd.s32 s28, v7  }
0x11b: {  	v28 =	vadd.s32 s18, v2;
	v29 =	vadd.s32 s8, v1;
	v30 =	vld [tilespmem:s26+$0x1F60];
	[tilespmem:v14+s22+$0x0] =	vst.idx.msk $0xffff, v13  }
0x11c: {  	v32 =	vadd.s32 s2, v7;
	v13 =	vadd.s32 s17, v2;
	v14 =	vld [tilespmem:s26+$0x1EE0];
	[tilespmem:v27+s22+$0x0] =	vst.idx.msk $0xffff, v11  }
0x11d: {  	v11 =	vadd.s32 s25, v2;
	[tilespmem:v25+s22+$0x0] =	vst.idx.msk $0xffff, v15;
	v15 =	vld [tilespmem:s26+$0x2060];
	v25 =	vadd.s32 s29, v7  }
0x11e: {  	v27 =	vld [tilespmem:s7+$0x2200];
	[tilespmem:v19+s22+$0x0] =	vst.idx.msk $0xffff, v17  }
0x11f: {  	v33 =	vadd.s32 s3, v8;
	s3 =	smov.u32 s17;
	v17 =	vadd.s32 s30, v2;
	v19 =	vld [tilespmem:s26+$0x1FF0];
	[tilespmem:v24+s22+$0x0] =	vst.idx.msk $0xffff, v20  }
0x120: {  	v20 =	vadd.s32 s12, v2;
	[tilespmem:v31+s22+$0x0] =	vst.idx.msk $0xffff, v30;
	v24 =	vld [tilespmem:s26+$0x2170]  }
0x121: {  	v30 =	vadd.s32 s8, v2;
	v31 =	vadd.s32 s28, v8;
	s28 =	smov.u32 s30;
	[tilespmem:v32+s22+$0x0] =	vst.idx.msk $0xffff, v14;
	v14 =	vld [tilespmem:s26+$0x1F70]  }
0x122: {  	v34 =	vadd.s32 s0, v8;
	s0 =	smov.u32 s18;
	v32 =	vld [tilespmem:s26+$0x1EF0];
	[tilespmem:v25+s22+$0x0] =	vst.idx.msk $0xffff, v15  }
0x123: {  	[tilespmem:v12+s22+$0x0] =	vst.idx.msk $0xffff, v23;
	v12 =	vld [tilespmem:s26+$0x2070];
	s26 =	smov.u32 s7  }
0x124: {  	v23 =	vadd.s32 s2, v8;
	s2 =	smov.u32 s15;
	v15 =	vld [tilespmem:s26+$0x2110];
	[tilespmem:v33+s22+$0x0] =	vst.idx.msk $0xffff, v19;
	v19 =	vadd.s32 s29, v8;
	s29 =	smov.u32 s25  }
0x125: {  	v25 =	vld [tilespmem:s26+$0x2080];
	[tilespmem:v21+s22+$0x0] =	vst.idx.msk $0xffff, v26  }
0x126: {  	v21 =	vld [tilespmem:s26+$0x1E80];
	[tilespmem:v31+s22+$0x0] =	vst.idx.msk $0xffff, v24  }
0x127: {  	v24 =	vld [tilespmem:s26+$0x2010];
	[tilespmem:v34+s22+$0x0] =	vst.idx.msk $0xffff, v14  }
0x128: {  	v14 =	vld [tilespmem:s26+$0x2190];
	[tilespmem:v29+s22+$0x0] =	vst.idx.msk $0xffff, v27  }
0x129: {  	v26 =	vld [tilespmem:s26+$0x1F00];
	[tilespmem:v19+s22+$0x0] =	vst.idx.msk $0xffff, v12  }
0x12a: {  	v12 =	vld [tilespmem:s26+$0x2210];
	[tilespmem:v23+s22+$0x0] =	vst.idx.msk $0xffff, v32  }
0x12b: {  	v19 =	vld [tilespmem:s26+$0x1F80];
	[tilespmem:v17+s22+$0x0] =	vst.idx.msk $0xffff, v15  }
0x12c: {  	[tilespmem:v18+s22+$0x0] =	vst.idx.msk $0xffff, v25;
	v15 =	vld [tilespmem:s26+$0x2120]  }
0x12d: {  	v18 =	vadd.s32 s11, v2;
	v17 =	vld [tilespmem:s26+$0x2090];
	[tilespmem:v20+s22+$0x0] =	vst.idx.msk $0xffff, v14  }
0x12e: {  	[tilespmem:v22+s22+$0x0] =	vst.idx.msk $0xffff, v26;
	v14 =	vld [tilespmem:s26+$0x21A0]  }
0x12f: {  	v20 =	vld [tilespmem:s26+$0x1F10];
	[tilespmem:v11+s22+$0x0] =	vst.idx.msk $0xffff, v24;
	v11 =	vadd.s32 s12, v3  }
0x130: {  	[tilespmem:v16+s22+$0x0] =	vst.idx.msk $0xffff, v19;
	v16 =	vld [tilespmem:s26+$0x2020]  }
0x131: {  	v19 =	vadd.s32 s29, v3;
	[tilespmem:v10+s22+$0x0] =	vst.idx.msk $0xffff, v21;
	v10 =	vld [tilespmem:s26+$0x1F90]  }
0x132: {  	v21 =	vld [tilespmem:s26+$0x1E90];
	[tilespmem:v18+s22+$0x0] =	vst.idx.msk $0xffff, v17  }
0x133: {  	v18 =	vadd.s32 s11, v3;
	v17 =	vld [tilespmem:s26+$0x20A0];
	[tilespmem:v30+s22+$0x0] =	vst.idx.msk $0xffff, v12  }
0x134: {  	v12 =	vadd.s32 s2, v2;
	[tilespmem:v11+s22+$0x0] =	vst.idx.msk $0xffff, v14;
	v11 =	vld [tilespmem:s26+$0x2220]  }
0x135: {  	[tilespmem:v28+s22+$0x0] =	vst.idx.msk $0xffff, v20;
	v14 =	vld [tilespmem:s26+$0x21B0];
	v20 =	vadd.s32 s8, v3  }
0x136: {  	[tilespmem:v19+s22+$0x0] =	vst.idx.msk $0xffff, v16;
	v16 =	vadd.s32 s12, v4  }
0x137: {  	[tilespmem:v13+s22+$0x0] =	vst.idx.msk $0xffff, v10;
	v10 =	vld [tilespmem:s26+$0x2030];
	v13 =	vadd.s32 s29, v4  }
0x138: {  	v22 =	vadd.s32 s3, v3;
	v19 =	vld [tilespmem:s26+$0x1FA0];
	[tilespmem:v18+s22+$0x0] =	vst.idx.msk $0xffff, v17  }
0x139: {  	v17 =	vadd.s32 s11, v4;
	[tilespmem:v12+s22+$0x0] =	vst.idx.msk $0xffff, v21;
	v12 =	vld [tilespmem:s26+$0x20B0]  }
0x13a: {  	v21 =	vadd.s32 s28, v3;
	v18 =	vld [tilespmem:s26+$0x1EA0];
	[tilespmem:v20+s22+$0x0] =	vst.idx.msk $0xffff, v11  }
0x13b: {  	v11 =	vadd.s32 s2, v3;
	[tilespmem:v16+s22+$0x0] =	vst.idx.msk $0xffff, v14;
	v14 =	vld [tilespmem:s26+$0x2230]  }
0x13c: {  	[tilespmem:v13+s22+$0x0] =	vst.idx.msk $0xffff, v10;
	v10 =	vld [tilespmem:s26+$0x21C0];
	v13 =	vadd.s32 s8, v4  }
0x13d: {  	[tilespmem:v22+s22+$0x0] =	vst.idx.msk $0xffff, v19;
	v16 =	vld [tilespmem:s26+$0x2040];
	v19 =	vadd.s32 s12, v5  }
0x13e: {  	v22 =	vadd.s32 s3, v4;
	v20 =	vld [tilespmem:s26+$0x1FB0];
	[tilespmem:v17+s22+$0x0] =	vst.idx.msk $0xffff, v12  }
0x13f: {  	v17 =	vadd.s32 s11, v5;
	v12 =	vld [tilespmem:s26+$0x20C0];
	[tilespmem:v21+s22+$0x0] =	vst.idx.msk $0xffff, v15  }
0x140: {  	v15 =	vadd.s32 s0, v3;
	[tilespmem:v11+s22+$0x0] =	vst.idx.msk $0xffff, v18;
	v11 =	vld [tilespmem:s26+$0x1F20]  }
0x141: {  	v21 =	vadd.s32 s28, v4;
	v18 =	vld [tilespmem:s26+$0x2130];
	[tilespmem:v13+s22+$0x0] =	vst.idx.msk $0xffff, v14  }
0x142: {  	v14 =	vadd.s32 s29, v5;
	v13 =	vld [tilespmem:s26+$0x1EB0];
	[tilespmem:v19+s22+$0x0] =	vst.idx.msk $0xffff, v10  }
0x143: {  	v19 =	vadd.s32 s8, v5;
	[tilespmem:v22+s22+$0x0] =	vst.idx.msk $0xffff, v20;
	v10 =	vld [tilespmem:s26+$0x2240]  }
0x144: {  	v20 =	vadd.s32 s2, v4;
	[tilespmem:v17+s22+$0x0] =	vst.idx.msk $0xffff, v12;
	v12 =	vld [tilespmem:s26+$0x21D0]  }
0x145: {  	[tilespmem:v15+s22+$0x0] =	vst.idx.msk $0xffff, v11;
	v11 =	vld [tilespmem:s26+$0x1FC0];
	v15 =	vadd.s32 s12, v6  }
0x146: {  	v17 =	vadd.s32 s3, v5;
	v22 =	vld [tilespmem:s26+$0x20D0];
	[tilespmem:v21+s22+$0x0] =	vst.idx.msk $0xffff, v18  }
0x147: {  	v18 =	vld [tilespmem:s26+$0x1F30];
	[tilespmem:v14+s22+$0x0] =	vst.idx.msk $0xffff, v16;
	v14 =	vadd.s32 s11, v6  }
0x148: {  	v16 =	vadd.s32 s0, v4;
	v21 =	vld [tilespmem:s26+$0x2140];
	[tilespmem:v19+s22+$0x0] =	vst.idx.msk $0xffff, v10  }
0x149: {  	[tilespmem:v20+s22+$0x0] =	vst.idx.msk $0xffff, v13;
	v10 =	vld [tilespmem:s26+$0x2250];
	v13 =	vadd.s32 s8, v6  }
0x14a: {  	v20 =	vadd.s32 s2, v5;
	v19 =	vld [tilespmem:s26+$0x1EC0];
	[tilespmem:v15+s22+$0x0] =	vst.idx.msk $0xffff, v12  }
0x14b: {  	v23 =	vadd.s32 s12, v7;
	[tilespmem:v17+s22+$0x0] =	vst.idx.msk $0xffff, v11;
	v15 =	vld [tilespmem:s26+$0x21E0]  }
0x14c: {  	v12 =	vld [tilespmem:s26+$0x1FD0];
	[tilespmem:v14+s22+$0x0] =	vst.idx.msk $0xffff, v22;
	v14 =	vadd.s32 s28, v5  }
0x14d: {  	v22 =	vadd.s32 s11, v7;
	[tilespmem:v16+s22+$0x0] =	vst.idx.msk $0xffff, v18;
	v18 =	vld [tilespmem:s26+$0x20E0]  }
0x14e: {  	v25 =	vadd.s32 s0, v5;
	v24 =	vld [tilespmem:s26+$0x1F40];
	[tilespmem:v13+s22+$0x0] =	vst.idx.msk $0xffff, v10  }
.Ltmp5:
0x14f: {  	[tilespmem:v20+s22+$0x0] =	vst.idx.msk $0xffff, v19;
	v11 =	vld [tilespmem:s26+$0x2050];
	(pc) =	sbr.rel @p0 .LBB2_8-.Ltmp5, $4  }
0x150: {  	v20 =	vadd.s32 s2, v6;
	v17 =	vld [tilespmem:s26+$0x1ED0];
	[tilespmem:v23+s22+$0x0] =	vst.idx.msk $0xffff, v15  }
0x151: {  	v19 =	vadd.s32 s8, v7;
	[tilespmem:v14+s22+$0x0] =	vst.idx.msk $0xffff, v21;
	v16 =	vld [tilespmem:s26+$0x2260]  }
0x152: {  	v14 =	vadd.s32 s12, v8;
	[tilespmem:v22+s22+$0x0] =	vst.idx.msk $0xffff, v18;
	v13 =	vld [tilespmem:s26+$0x21F0]  }
0x153: {  	s11 =	sadd.s32 $0x1000, s11;
	v18 =	vadd.s32 s28, v6;
	[tilespmem:v25+s22+$0x0] =	vst.idx.msk $0xffff, v24;
	v15 =	vld [tilespmem:s26+$0x2150]  }
0x154: {  	_ =	sdelay $0x3  }
0x155: {  	v10 =	vld [tilespmem:s26+$0x1F50];
	v21 =	vadd.s32 s0, v6;
	[tilespmem:v9+s22+$0x0] =	vst.idx.msk $0xffff, v12  }
0x156: {  	v47 =	vadd.s32 s29, v6;
	[tilespmem:v20+s22+$0x0] =	vst.idx.msk $0xffff, v17  }
0x157: {  	v48 =	vld [tilespmem:s26+$0x20F0];
	v49 =	vadd.s32 s16, v8;
	[tilespmem:v19+s22+$0x0] =	vst.idx.msk $0xffff, v16  }
0x158: {  	v50 =	vadd.s32 s3, v7;
	v9 =	vld [tilespmem:s26+$0x1FE0];
	[tilespmem:v14+s22+$0x0] =	vst.idx.msk $0xffff, v13  }
0x159: {  	v56 =	vadd.s32 s2, v7;
	v55 =	vld [tilespmem:s26+$0x1EE0];
	[tilespmem:v18+s22+$0x0] =	vst.idx.msk $0xffff, v15  }
0x15a: {  	v51 =	vadd.s32 s28, v7;
	[tilespmem:v21+s22+$0x0] =	vst.idx.msk $0xffff, v10;
	v10 =	vld [tilespmem:s26+$0x2160]  }
0x15b: {  	v53 =	vadd.s32 s0, v7;
	[tilespmem:v47+s22+$0x0] =	vst.idx.msk $0xffff, v11;
	v52 =	vld [tilespmem:s26+$0x1F60]  }
0x15c: {  	v54 =	vadd.s32 s29, v7;
	[tilespmem:v49+s22+$0x0] =	vst.idx.msk $0xffff, v48;
	v11 =	vld [tilespmem:s26+$0x2060]  }
0x15d: {  	v58 =	vadd.s32 s8, v8;
	v57 =	vld [tilespmem:s26+$0x2270];
	[tilespmem:v50+s22+$0x0] =	vst.idx.msk $0xffff, v9  }
0x15e: {  	v59 =	vadd.s32 s3, v8;
	v9 =	vld [tilespmem:s26+$0x1FF0];
	[tilespmem:v56+s22+$0x0] =	vst.idx.msk $0xffff, v55  }
0x15f: {  	v63 =	vadd.s32 s2, v8;
	v14 =	vld [tilespmem:s26+$0x1EF0];
	[tilespmem:v51+s22+$0x0] =	vst.idx.msk $0xffff, v10  }
0x160: {  	v60 =	vadd.s32 s28, v8;
	[tilespmem:v53+s22+$0x0] =	vst.idx.msk $0xffff, v52;
	v10 =	vld [tilespmem:s26+$0x2170]  }
0x161: {  	v61 =	vadd.s32 s0, v8;
	[tilespmem:v54+s22+$0x0] =	vst.idx.msk $0xffff, v11;
	v18 =	vld [tilespmem:s26+$0x1F70]  }
0x162: {  	v62 =	vadd.s32 s29, v8;
	[tilespmem:v58+s22+$0x0] =	vst.idx.msk $0xffff, v57;
	v11 =	vld [tilespmem:s26+$0x2070]  }
0x163: {  	[tilespmem:v59+s22+$0x0] =	vst.idx.msk $0xffff, v9  }
0x164: {  	[tilespmem:v63+s22+$0x0] =	vst.idx.msk $0xffff, v14  }
0x165: {  	[tilespmem:v60+s22+$0x0] =	vst.idx.msk $0xffff, v10  }
0x166: {  	[tilespmem:v61+s22+$0x0] =	vst.idx.msk $0xffff, v18  }
0x167: {  	[tilespmem:v62+s22+$0x0] =	vst.idx.msk $0xffff, v11  }
0x168: {  	s30 =	rddreg [dreg:$0x7]  }
0x169: {  	[hbm4b:s30+s4] =	stream.linear.scatter [tilespmem:s22], [sflag:$0x4], $0x8000, $0x38;
	[tilespmem:$0x14080] =	vst v63  }
0x16a: {  	s1 =	simm.s32 $0x2080;
	s26 =	simm.s32 $0x1;
	s31 =	rddreg [dreg:$0x8]  }
0x16b: {  	[tilespmem:s1], [sflag:$0x2] =	stream.linear.gather [hbm4b:s31+s4], $0x2000, $0x38;
	[tilespmem:$0x14080] =	vst v63  }
.LBB2_10:
0x16c: {  	_ =	swait.ge [sflag:s19], $0x2000  }
0x16d: {  	[sflag:s19] =	ssyncset.done $0x0  }
0x16e: {  	[sflag:s19] =	ssyncadd.s32 $0xFFFFE000  }
0x16f: {  	_ =	swait.ge [sflag:s23], $0x8000  }
0x170: {  	[sflag:s23] =	ssyncset.done $0x0  }
0x171: {  	s28 =	simm.s32 $0x200;
	s29 =	simm.s32 $0xA00;
	[sflag:s23] =	ssyncadd.s32 $0xFFFF8000  }
0x172: {  	s30 =	simm.s32 $0x600;
	v10 =	vadd.s32 s29, v1;
	v9 =	vld [tilespmem:s28+$0x100]  }
0x173: {  	s11 =	simm.s32 $0xC00;
	v14 =	vadd.s32 s30, v1;
	v13 =	vld [tilespmem:s28+$0x0]  }
0x174: {  	v12 =	vadd.s32 s11, v1;
	v11 =	vld [tilespmem:s28+$0x180]  }
0x175: {  	s8 =	simm.s32 $0x800  }
0x176: {  	s16 =	simm.s32 $0xE00;
	v18 =	vadd.s32 s8, v1;
	v17 =	vld [tilespmem:s28+$0x80]  }
0x177: {  	s0 =	simm.s32 $0x200;
	v15 =	vld [tilespmem:s28+$0x200];
	[tilespmem:v10+s20+$0x0] =	vst.idx.msk $0xffff, v9;
	v9 =	vadd.s32 s16, v1  }
0x178: {  	v20 =	vadd.s32 s0, v1;
	[tilespmem:v14+s20+$0x0] =	vst.idx.msk $0xffff, v13;
	v13 =	vld [tilespmem:s28+$0xFFFFFF00]  }
0x179: {  	v16 =	vadd.s32 s29, v2;
	[tilespmem:v12+s20+$0x0] =	vst.idx.msk $0xffff, v11;
	v10 =	vld [tilespmem:s28+$0x110]  }
0x17a: {  	v12 =	vadd.s32 s11, v2;
	v19 =	vld [tilespmem:s28+$0x190]  }
0x17b: {  	v14 =	vadd.s32 s30, v2;
	[tilespmem:v18+s20+$0x0] =	vst.idx.msk $0xffff, v17;
	v21 =	vld [tilespmem:s28+$0x10]  }
0x17c: {  	s3 =	simm.s32 $0x400;
	v18 =	vadd.s32 s8, v2;
	v17 =	vld [tilespmem:s28+$0x90];
	[tilespmem:v9+s20+$0x0] =	vst.idx.msk $0xffff, v15  }
0x17d: {  	s2 =	simm.s32 $0x0;
	v9 =	vadd.s32 s3, v1;
	v15 =	vld [tilespmem:s28+$0xFFFFFF80];
	[tilespmem:v20+s20+$0x0] =	vst.idx.msk $0xffff, v13  }
0x17e: {  	v11 =	vld [tilespmem:s28+$0xFFFFFE80];
	[tilespmem:v16+s20+$0x0] =	vst.idx.msk $0xffff, v10;
	v10 =	vadd.s32 s2, v1  }
0x17f: {  	v16 =	vld [tilespmem:s28+$0x210];
	[tilespmem:v12+s20+$0x0] =	vst.idx.msk $0xffff, v19;
	v12 =	vadd.s32 s16, v2  }
0x180: {  	v20 =	vadd.s32 s0, v2;
	[tilespmem:v14+s20+$0x0] =	vst.idx.msk $0xffff, v21;
	v21 =	vld [tilespmem:s28+$0xFFFFFF10]  }
0x181: {  	v14 =	vadd.s32 s11, v3;
	[tilespmem:v18+s20+$0x0] =	vst.idx.msk $0xffff, v17;
	v13 =	vld [tilespmem:s28+$0x1A0]  }
0x182: {  	v18 =	vadd.s32 s8, v3;
	v17 =	vld [tilespmem:s28+$0xA0];
	[tilespmem:v9+s20+$0x0] =	vst.idx.msk $0xffff, v15  }
0x183: {  	v9 =	vld [tilespmem:s28+$0x20];
	[tilespmem:v10+s20+$0x0] =	vst.idx.msk $0xffff, v11;
	v10 =	vadd.s32 s30, v3  }
0x184: {  	v11 =	vadd.s32 s3, v2;
	v15 =	vld [tilespmem:s28+$0xFFFFFF90];
	[tilespmem:v12+s20+$0x0] =	vst.idx.msk $0xffff, v16  }
0x185: {  	v19 =	vld [tilespmem:s28+$0x120];
	[tilespmem:v20+s20+$0x0] =	vst.idx.msk $0xffff, v21  }
0x186: {  	v16 =	vadd.s32 s2, v2;
	v12 =	vld [tilespmem:s28+$0xFFFFFE90];
	[tilespmem:v14+s20+$0x0] =	vst.idx.msk $0xffff, v13  }
0x187: {  	v13 =	vld [tilespmem:s28+$0x220];
	[tilespmem:v18+s20+$0x0] =	vst.idx.msk $0xffff, v17;
	v18 =	vadd.s32 s29, v3  }
0x188: {  	v14 =	vadd.s32 s16, v3;
	v20 =	vld [tilespmem:s28+$0x1B0];
	[tilespmem:v10+s20+$0x0] =	vst.idx.msk $0xffff, v9  }
0x189: {  	v9 =	vadd.s32 s11, v4;
	[tilespmem:v11+s20+$0x0] =	vst.idx.msk $0xffff, v15;
	v10 =	vld [tilespmem:s28+$0x30]  }
0x18a: {  	v11 =	vadd.s32 s30, v4;
	v15 =	vld [tilespmem:s28+$0xFFFFFFA0]  }
0x18b: {  	v21 =	vadd.s32 s3, v3;
	[tilespmem:v16+s20+$0x0] =	vst.idx.msk $0xffff, v12;
	v12 =	vld [tilespmem:s28+$0xB0]  }
0x18c: {  	v16 =	vadd.s32 s8, v4;
	[tilespmem:v18+s20+$0x0] =	vst.idx.msk $0xffff, v19;
	v17 =	vld [tilespmem:s28+$0xFFFFFEA0]  }
0x18d: {  	[tilespmem:v14+s20+$0x0] =	vst.idx.msk $0xffff, v13;
	v13 =	vadd.s32 s2, v3;
	v18 =	vld [tilespmem:s28+$0x130]  }
0x18e: {  	v19 =	vadd.s32 s29, v4;
	[tilespmem:v9+s20+$0x0] =	vst.idx.msk $0xffff, v20;
	v9 =	vld [tilespmem:s28+$0x230]  }
0x18f: {  	[tilespmem:v11+s20+$0x0] =	vst.idx.msk $0xffff, v10;
	v10 =	vld [tilespmem:s28+$0x1C0];
	v11 =	vadd.s32 s16, v4  }
0x190: {  	[tilespmem:v21+s20+$0x0] =	vst.idx.msk $0xffff, v15;
	v15 =	vadd.s32 s11, v5;
	v14 =	vld [tilespmem:s28+$0x40]  }
0x191: {  	v21 =	vadd.s32 s3, v4;
	[tilespmem:v16+s20+$0x0] =	vst.idx.msk $0xffff, v12;
	v20 =	vld [tilespmem:s28+$0xFFFFFFB0]  }
0x192: {  	v16 =	vadd.s32 s8, v5;
	v12 =	vld [tilespmem:s28+$0xC0];
	[tilespmem:v13+s20+$0x0] =	vst.idx.msk $0xffff, v17  }
0x193: {  	v13 =	vld [tilespmem:s28+$0xFFFFFF20];
	v17 =	vadd.s32 s0, v3;
	[tilespmem:v19+s20+$0x0] =	vst.idx.msk $0xffff, v18  }
0x194: {  	v19 =	vld [tilespmem:s28+$0x140];
	[tilespmem:v11+s20+$0x0] =	vst.idx.msk $0xffff, v9;
	v11 =	vadd.s32 s30, v5  }
0x195: {  	[tilespmem:v15+s20+$0x0] =	vst.idx.msk $0xffff, v10;
	v15 =	vadd.s32 s16, v5;
	v10 =	vld [tilespmem:s28+$0x240]  }
0x196: {  	v9 =	vld [tilespmem:s28+$0xFFFFFEB0];
	[tilespmem:v21+s20+$0x0] =	vst.idx.msk $0xffff, v20;
	v20 =	vadd.s32 s2, v4  }
0x197: {  	[tilespmem:v16+s20+$0x0] =	vst.idx.msk $0xffff, v12;
	v12 =	vld [tilespmem:s28+$0x1D0];
	v16 =	vadd.s32 s11, v6  }
0x198: {  	[tilespmem:v17+s20+$0x0] =	vst.idx.msk $0xffff, v13;
	v17 =	vadd.s32 s3, v5;
	v13 =	vld [tilespmem:s28+$0xFFFFFFC0]  }
0x199: {  	v21 =	vld [tilespmem:s28+$0xD0];
	[tilespmem:v11+s20+$0x0] =	vst.idx.msk $0xffff, v14;
	v11 =	vadd.s32 s8, v6  }
0x19a: {  	v18 =	vld [tilespmem:s28+$0xFFFFFF30];
	v14 =	vadd.s32 s0, v4;
	[tilespmem:v15+s20+$0x0] =	vst.idx.msk $0xffff, v10  }
0x19b: {  	[tilespmem:v20+s20+$0x0] =	vst.idx.msk $0xffff, v9;
	v10 =	vadd.s32 s16, v6;
	v9 =	vld [tilespmem:s28+$0x250]  }
0x19c: {  	v20 =	vadd.s32 s2, v5;
	[tilespmem:v16+s20+$0x0] =	vst.idx.msk $0xffff, v12;
	v15 =	vld [tilespmem:s28+$0xFFFFFEC0]  }
0x19d: {  	[tilespmem:v17+s20+$0x0] =	vst.idx.msk $0xffff, v13;
	v13 =	vld [tilespmem:s28+$0x1E0];
	v17 =	vadd.s32 s11, v7  }
0x19e: {  	v12 =	vld [tilespmem:s28+$0xFFFFFFD0];
	[tilespmem:v11+s20+$0x0] =	vst.idx.msk $0xffff, v21;
	v21 =	vadd.s32 s29, v5  }
0x19f: {  	[tilespmem:v14+s20+$0x0] =	vst.idx.msk $0xffff, v18;
	v18 =	vadd.s32 s8, v7;
	v14 =	vld [tilespmem:s28+$0xE0]  }
0x1a0: {  	v23 =	vadd.s32 s0, v5;
	v22 =	vld [tilespmem:s28+$0xFFFFFF40];
	[tilespmem:v10+s20+$0x0] =	vst.idx.msk $0xffff, v9  }
0x1a1: {  	v11 =	vld [tilespmem:s28+$0x50];
	[tilespmem:v20+s20+$0x0] =	vst.idx.msk $0xffff, v15  }
0x1a2: {  	[tilespmem:v17+s20+$0x0] =	vst.idx.msk $0xffff, v13;
	v20 =	vadd.s32 s2, v6;
	v16 =	vld [tilespmem:s28+$0xFFFFFED0]  }
0x1a3: {  	v15 =	vld [tilespmem:s28+$0x260];
	[tilespmem:v21+s20+$0x0] =	vst.idx.msk $0xffff, v19;
	v19 =	vadd.s32 s16, v7  }
0x1a4: {  	s7 =	sshll.u32 s26, $0xD;
	v13 =	vld [tilespmem:s28+$0x1F0];
	[tilespmem:v18+s20+$0x0] =	vst.idx.msk $0xffff, v14;
	v14 =	vadd.s32 s11, v8  }
0x1a5: {  	s10 =	simm.s32 $0x0;
	s31 =	sadd.s32 s7, s9;
	v9 =	vadd.s32 s3, v6;
	[tilespmem:v23+s20+$0x0] =	vst.idx.msk $0xffff, v22;
	v17 =	vld [tilespmem:s28+$0x150];
	v18 =	vadd.s32 s29, v6;
	s11 =	simm.s32 $0x1800  }
.LBB2_11:
0x1a6: {  	s15 =	sadd.s32 $0xFFFFF800, s11;
	s7 =	sshra.s32 s11, $0x2;
	s10 =	sadd.s32 $0x8, s10;
	v21 =	vld [tilespmem:s28+$0xFFFFFF50]  }
0x1a7: {  	s18 =	sadd.s32 $0xFFFFFA00, s11;
	v10 =	vadd.s32 s15, v1;
	p0 =	slt.u32 s10, $0x38;
	[tilespmem:v20+s20+$0x0] =	vst.idx.msk $0xffff, v16;
	v16 =	vadd.s32 s0, v6;
	v20 =	vld [tilespmem:s28+$0xF0]  }
0x1a8: {  	s17 =	sadd.s32 $0xFFFFFC00, s11;
	v24 =	vadd.s32 s8, v8;
	s8 =	smov.u32 s11;
	v22 =	vadd.s32 s18, v1;
	v23 =	vld [tilespmem:s7+$0x100];
	[tilespmem:v19+s20+$0x0] =	vst.idx.msk $0xffff, v15  }
0x1a9: {  	s25 =	sadd.s32 $0xFFFFFE00, s11;
	v15 =	vadd.s32 s17, v1;
	v19 =	vadd.s32 s17, v6;
	[tilespmem:v14+s20+$0x0] =	vst.idx.msk $0xffff, v13;
	v13 =	vld [tilespmem:s28+$0x270];
	v14 =	vadd.s32 s16, v8  }
0x1aa: {  	v27 =	vadd.s32 s30, v6;
	v25 =	vadd.s32 s25, v1;
	v26 =	vld [tilespmem:s7+$0x180];
	[tilespmem:v18+s20+$0x0] =	vst.idx.msk $0xffff, v17  }
0x1ab: {  	s14 =	sadd.s32 $0x200, s11;
	v31 =	vadd.s32 s0, v7;
	v18 =	vadd.s32 s11, v1;
	v17 =	vld [tilespmem:s7+$0x0];
	[tilespmem:v9+s20+$0x0] =	vst.idx.msk $0xffff, v12;
	v9 =	vmov v19  }
0x1ac: {  	s12 =	sadd.s32 $0x400, s11;
	v12 =	vadd.s32 s14, v1;
	v19 =	vadd.s32 s3, v7;
	[tilespmem:v16+s20+$0x0] =	vst.idx.msk $0xffff, v21;
	v16 =	vld [tilespmem:s28+$0xFFFFFFE0]  }
0x1ad: {  	s16 =	sadd.s32 $0x600, s11;
	v21 =	vadd.s32 s12, v1;
	[tilespmem:v24+s20+$0x0] =	vst.idx.msk $0xffff, v20;
	v20 =	vld [tilespmem:s28+$0x160];
	v24 =	vadd.s32 s29, v7  }
0x1ae: {  	v28 =	vadd.s32 s18, v2;
	v29 =	vadd.s32 s16, v1;
	v30 =	vld [tilespmem:s28+$0xFFFFFF60];
	[tilespmem:v14+s20+$0x0] =	vst.idx.msk $0xffff, v13  }
0x1af: {  	v32 =	vadd.s32 s2, v7;
	v13 =	vadd.s32 s17, v2;
	v14 =	vld [tilespmem:s28+$0xFFFFFEE0];
	[tilespmem:v27+s20+$0x0] =	vst.idx.msk $0xffff, v11  }
0x1b0: {  	v11 =	vadd.s32 s25, v2;
	[tilespmem:v25+s20+$0x0] =	vst.idx.msk $0xffff, v17;
	v17 =	vld [tilespmem:s28+$0x60];
	v25 =	vadd.s32 s30, v7  }
0x1b1: {  	v27 =	vld [tilespmem:s7+$0x200];
	[tilespmem:v19+s20+$0x0] =	vst.idx.msk $0xffff, v16  }
0x1b2: {  	v33 =	vadd.s32 s3, v8;
	s3 =	smov.u32 s17;
	v16 =	vadd.s32 s14, v2;
	v19 =	vld [tilespmem:s28+$0xFFFFFFF0];
	[tilespmem:v24+s20+$0x0] =	vst.idx.msk $0xffff, v20  }
0x1b3: {  	v20 =	vadd.s32 s12, v2;
	[tilespmem:v31+s20+$0x0] =	vst.idx.msk $0xffff, v30;
	v24 =	vld [tilespmem:s28+$0x170]  }
0x1b4: {  	v30 =	vadd.s32 s16, v2;
	v31 =	vadd.s32 s29, v8;
	s29 =	smov.u32 s14;
	[tilespmem:v32+s20+$0x0] =	vst.idx.msk $0xffff, v14;
	v14 =	vld [tilespmem:s28+$0xFFFFFF70]  }
0x1b5: {  	v34 =	vadd.s32 s0, v8;
	s0 =	smov.u32 s18;
	v32 =	vld [tilespmem:s28+$0xFFFFFEF0];
	[tilespmem:v25+s20+$0x0] =	vst.idx.msk $0xffff, v17  }
0x1b6: {  	[tilespmem:v12+s20+$0x0] =	vst.idx.msk $0xffff, v23;
	v12 =	vld [tilespmem:s28+$0x70];
	s28 =	smov.u32 s7  }
0x1b7: {  	v23 =	vadd.s32 s2, v8;
	s2 =	smov.u32 s15;
	v17 =	vld [tilespmem:s28+$0x110];
	[tilespmem:v33+s20+$0x0] =	vst.idx.msk $0xffff, v19;
	v19 =	vadd.s32 s30, v8;
	s30 =	smov.u32 s25  }
0x1b8: {  	v25 =	vld [tilespmem:s28+$0x80];
	[tilespmem:v21+s20+$0x0] =	vst.idx.msk $0xffff, v26  }
0x1b9: {  	v21 =	vld [tilespmem:s28+$0xFFFFFE80];
	[tilespmem:v31+s20+$0x0] =	vst.idx.msk $0xffff, v24  }
0x1ba: {  	v24 =	vld [tilespmem:s28+$0x10];
	[tilespmem:v34+s20+$0x0] =	vst.idx.msk $0xffff, v14  }
0x1bb: {  	v14 =	vld [tilespmem:s28+$0x190];
	[tilespmem:v29+s20+$0x0] =	vst.idx.msk $0xffff, v27  }
0x1bc: {  	v26 =	vld [tilespmem:s28+$0xFFFFFF00];
	[tilespmem:v19+s20+$0x0] =	vst.idx.msk $0xffff, v12  }
0x1bd: {  	v12 =	vld [tilespmem:s28+$0x210];
	[tilespmem:v23+s20+$0x0] =	vst.idx.msk $0xffff, v32  }
0x1be: {  	v19 =	vld [tilespmem:s28+$0xFFFFFF80];
	[tilespmem:v16+s20+$0x0] =	vst.idx.msk $0xffff, v17  }
0x1bf: {  	[tilespmem:v18+s20+$0x0] =	vst.idx.msk $0xffff, v25;
	v16 =	vld [tilespmem:s28+$0x120]  }
0x1c0: {  	v18 =	vadd.s32 s11, v2;
	v17 =	vld [tilespmem:s28+$0x90];
	[tilespmem:v20+s20+$0x0] =	vst.idx.msk $0xffff, v14  }
0x1c1: {  	[tilespmem:v22+s20+$0x0] =	vst.idx.msk $0xffff, v26;
	v14 =	vld [tilespmem:s28+$0x1A0]  }
0x1c2: {  	v20 =	vld [tilespmem:s28+$0xFFFFFF10];
	[tilespmem:v11+s20+$0x0] =	vst.idx.msk $0xffff, v24;
	v11 =	vadd.s32 s12, v3  }
0x1c3: {  	[tilespmem:v15+s20+$0x0] =	vst.idx.msk $0xffff, v19;
	v15 =	vld [tilespmem:s28+$0x20]  }
0x1c4: {  	v19 =	vadd.s32 s30, v3;
	[tilespmem:v10+s20+$0x0] =	vst.idx.msk $0xffff, v21;
	v10 =	vld [tilespmem:s28+$0xFFFFFF90]  }
0x1c5: {  	v21 =	vld [tilespmem:s28+$0xFFFFFE90];
	[tilespmem:v18+s20+$0x0] =	vst.idx.msk $0xffff, v17  }
0x1c6: {  	v18 =	vadd.s32 s11, v3;
	v17 =	vld [tilespmem:s28+$0xA0];
	[tilespmem:v30+s20+$0x0] =	vst.idx.msk $0xffff, v12  }
0x1c7: {  	v12 =	vadd.s32 s2, v2;
	[tilespmem:v11+s20+$0x0] =	vst.idx.msk $0xffff, v14;
	v11 =	vld [tilespmem:s28+$0x220]  }
0x1c8: {  	[tilespmem:v28+s20+$0x0] =	vst.idx.msk $0xffff, v20;
	v14 =	vld [tilespmem:s28+$0x1B0];
	v20 =	vadd.s32 s16, v3  }
0x1c9: {  	[tilespmem:v19+s20+$0x0] =	vst.idx.msk $0xffff, v15;
	v15 =	vadd.s32 s12, v4  }
0x1ca: {  	[tilespmem:v13+s20+$0x0] =	vst.idx.msk $0xffff, v10;
	v10 =	vld [tilespmem:s28+$0x30];
	v13 =	vadd.s32 s30, v4  }
0x1cb: {  	v22 =	vadd.s32 s3, v3;
	v19 =	vld [tilespmem:s28+$0xFFFFFFA0];
	[tilespmem:v18+s20+$0x0] =	vst.idx.msk $0xffff, v17  }
0x1cc: {  	v17 =	vadd.s32 s11, v4;
	[tilespmem:v12+s20+$0x0] =	vst.idx.msk $0xffff, v21;
	v12 =	vld [tilespmem:s28+$0xB0]  }
0x1cd: {  	v21 =	vadd.s32 s29, v3;
	v18 =	vld [tilespmem:s28+$0xFFFFFEA0];
	[tilespmem:v20+s20+$0x0] =	vst.idx.msk $0xffff, v11  }
0x1ce: {  	v11 =	vadd.s32 s2, v3;
	[tilespmem:v15+s20+$0x0] =	vst.idx.msk $0xffff, v14;
	v14 =	vld [tilespmem:s28+$0x230]  }
0x1cf: {  	[tilespmem:v13+s20+$0x0] =	vst.idx.msk $0xffff, v10;
	v10 =	vld [tilespmem:s28+$0x1C0];
	v13 =	vadd.s32 s16, v4  }
0x1d0: {  	[tilespmem:v22+s20+$0x0] =	vst.idx.msk $0xffff, v19;
	v15 =	vld [tilespmem:s28+$0x40];
	v19 =	vadd.s32 s12, v5  }
0x1d1: {  	v22 =	vadd.s32 s3, v4;
	v20 =	vld [tilespmem:s28+$0xFFFFFFB0];
	[tilespmem:v17+s20+$0x0] =	vst.idx.msk $0xffff, v12  }
0x1d2: {  	v17 =	vadd.s32 s11, v5;
	v12 =	vld [tilespmem:s28+$0xC0];
	[tilespmem:v21+s20+$0x0] =	vst.idx.msk $0xffff, v16  }
0x1d3: {  	v16 =	vadd.s32 s0, v3;
	[tilespmem:v11+s20+$0x0] =	vst.idx.msk $0xffff, v18;
	v11 =	vld [tilespmem:s28+$0xFFFFFF20]  }
0x1d4: {  	v21 =	vadd.s32 s29, v4;
	v18 =	vld [tilespmem:s28+$0x130];
	[tilespmem:v13+s20+$0x0] =	vst.idx.msk $0xffff, v14  }
0x1d5: {  	v14 =	vadd.s32 s30, v5;
	v13 =	vld [tilespmem:s28+$0xFFFFFEB0];
	[tilespmem:v19+s20+$0x0] =	vst.idx.msk $0xffff, v10  }
0x1d6: {  	v19 =	vadd.s32 s16, v5;
	[tilespmem:v22+s20+$0x0] =	vst.idx.msk $0xffff, v20;
	v10 =	vld [tilespmem:s28+$0x240]  }
0x1d7: {  	v20 =	vadd.s32 s2, v4;
	[tilespmem:v17+s20+$0x0] =	vst.idx.msk $0xffff, v12;
	v12 =	vld [tilespmem:s28+$0x1D0]  }
0x1d8: {  	[tilespmem:v16+s20+$0x0] =	vst.idx.msk $0xffff, v11;
	v11 =	vld [tilespmem:s28+$0xFFFFFFC0];
	v16 =	vadd.s32 s12, v6  }
0x1d9: {  	v17 =	vadd.s32 s3, v5;
	v22 =	vld [tilespmem:s28+$0xD0];
	[tilespmem:v21+s20+$0x0] =	vst.idx.msk $0xffff, v18  }
0x1da: {  	v18 =	vld [tilespmem:s28+$0xFFFFFF30];
	[tilespmem:v14+s20+$0x0] =	vst.idx.msk $0xffff, v15;
	v14 =	vadd.s32 s11, v6  }
0x1db: {  	v15 =	vadd.s32 s0, v4;
	v21 =	vld [tilespmem:s28+$0x140];
	[tilespmem:v19+s20+$0x0] =	vst.idx.msk $0xffff, v10  }
0x1dc: {  	[tilespmem:v20+s20+$0x0] =	vst.idx.msk $0xffff, v13;
	v10 =	vld [tilespmem:s28+$0x250];
	v13 =	vadd.s32 s16, v6  }
0x1dd: {  	v20 =	vadd.s32 s2, v5;
	v19 =	vld [tilespmem:s28+$0xFFFFFEC0];
	[tilespmem:v16+s20+$0x0] =	vst.idx.msk $0xffff, v12  }
0x1de: {  	v23 =	vadd.s32 s12, v7;
	[tilespmem:v17+s20+$0x0] =	vst.idx.msk $0xffff, v11;
	v17 =	vld [tilespmem:s28+$0x1E0]  }
0x1df: {  	v12 =	vld [tilespmem:s28+$0xFFFFFFD0];
	[tilespmem:v14+s20+$0x0] =	vst.idx.msk $0xffff, v22;
	v14 =	vadd.s32 s29, v5  }
0x1e0: {  	v22 =	vadd.s32 s11, v7;
	[tilespmem:v15+s20+$0x0] =	vst.idx.msk $0xffff, v18;
	v18 =	vld [tilespmem:s28+$0xE0]  }
0x1e1: {  	v25 =	vadd.s32 s0, v5;
	v24 =	vld [tilespmem:s28+$0xFFFFFF40];
	[tilespmem:v13+s20+$0x0] =	vst.idx.msk $0xffff, v10  }
.Ltmp6:
0x1e2: {  	[tilespmem:v20+s20+$0x0] =	vst.idx.msk $0xffff, v19;
	v11 =	vld [tilespmem:s28+$0x50];
	(pc) =	sbr.rel @p0 .LBB2_11-.Ltmp6, $4  }
0x1e3: {  	v20 =	vadd.s32 s2, v6;
	v16 =	vld [tilespmem:s28+$0xFFFFFED0];
	[tilespmem:v23+s20+$0x0] =	vst.idx.msk $0xffff, v17  }
0x1e4: {  	v19 =	vadd.s32 s16, v7;
	[tilespmem:v14+s20+$0x0] =	vst.idx.msk $0xffff, v21;
	v15 =	vld [tilespmem:s28+$0x260]  }
0x1e5: {  	v14 =	vadd.s32 s12, v8;
	[tilespmem:v22+s20+$0x0] =	vst.idx.msk $0xffff, v18;
	v13 =	vld [tilespmem:s28+$0x1F0]  }
0x1e6: {  	s11 =	sadd.s32 $0x1000, s11;
	v18 =	vadd.s32 s29, v6;
	[tilespmem:v25+s20+$0x0] =	vst.idx.msk $0xffff, v24;
	v17 =	vld [tilespmem:s28+$0x150]  }
0x1e7: {  	_ =	sdelay $0x2  }
0x1e8: {  	v10 =	vld [tilespmem:s28+$0xFFFFFF50];
	v21 =	vadd.s32 s0, v6  }
0x1e9: {  	[tilespmem:v20+s20+$0x0] =	vst.idx.msk $0xffff, v16;
	v16 =	vadd.s32 s30, v6  }
0x1ea: {  	[tilespmem:v9+s20+$0x0] =	vst.idx.msk $0xffff, v12  }
0x1eb: {  	[tilespmem:v19+s20+$0x0] =	vst.idx.msk $0xffff, v15;
	v15 =	vld [tilespmem:s28+$0xF0];
	v19 =	vadd.s32 s8, v8  }
0x1ec: {  	v12 =	vadd.s32 s3, v7;
	v9 =	vld [tilespmem:s28+$0xFFFFFFE0];
	[tilespmem:v18+s20+$0x0] =	vst.idx.msk $0xffff, v17  }
0x1ed: {  	v17 =	vadd.s32 s29, v7;
	[tilespmem:v21+s20+$0x0] =	vst.idx.msk $0xffff, v10;
	v10 =	vld [tilespmem:s28+$0x160]  }
0x1ee: {  	v20 =	vadd.s32 s0, v7;
	v18 =	vld [tilespmem:s28+$0xFFFFFF60];
	[tilespmem:v16+s20+$0x0] =	vst.idx.msk $0xffff, v11  }
0x1ef: {  	[tilespmem:v14+s20+$0x0] =	vst.idx.msk $0xffff, v13;
	v13 =	vadd.s32 s30, v7;
	v11 =	vld [tilespmem:s28+$0x60]  }
0x1f0: {  	v14 =	vld [tilespmem:s28+$0xFFFFFEE0];
	[tilespmem:v19+s20+$0x0] =	vst.idx.msk $0xffff, v15;
	v15 =	vadd.s32 s2, v7  }
0x1f1: {  	v16 =	vld [tilespmem:s28+$0x270];
	[tilespmem:v12+s20+$0x0] =	vst.idx.msk $0xffff, v9;
	v19 =	vadd.s32 s16, v8  }
0x1f2: {  	v12 =	vadd.s32 s3, v8;
	v9 =	vld [tilespmem:s28+$0xFFFFFFF0];
	[tilespmem:v17+s20+$0x0] =	vst.idx.msk $0xffff, v10  }
0x1f3: {  	v17 =	vadd.s32 s29, v8;
	[tilespmem:v20+s20+$0x0] =	vst.idx.msk $0xffff, v18;
	v10 =	vld [tilespmem:s28+$0x170]  }
0x1f4: {  	v20 =	vadd.s32 s0, v8;
	v18 =	vld [tilespmem:s28+$0xFFFFFF70];
	[tilespmem:v13+s20+$0x0] =	vst.idx.msk $0xffff, v11  }
0x1f5: {  	[tilespmem:v15+s20+$0x0] =	vst.idx.msk $0xffff, v14;
	v13 =	vadd.s32 s30, v8;
	v11 =	vld [tilespmem:s28+$0x70]  }
0x1f6: {  	[tilespmem:v19+s20+$0x0] =	vst.idx.msk $0xffff, v16;
	v15 =	vadd.s32 s2, v8;
	v14 =	vld [tilespmem:s28+$0xFFFFFEF0]  }
0x1f7: {  	[tilespmem:v12+s20+$0x0] =	vst.idx.msk $0xffff, v9  }
0x1f8: {  	p0 =	seq.s32 s26, $0x3;
	s28 =	sshll.u32 s26, $0x7;
	[tilespmem:v17+s20+$0x0] =	vst.idx.msk $0xffff, v10  }
0x1f9: {  	s0 =	sadd.s32 @!p0 s28, s13;
	[tilespmem:v20+s20+$0x0] =	vst.idx.msk $0xffff, v18  }
0x1fa: {  	s0 =	sshll.u32 @!p0 s0, $0x4;
	[tilespmem:v13+s20+$0x0] =	vst.idx.msk $0xffff, v11  }
0x1fb: {  	s1 =	rddreg [dreg:$0x0];
	s0 =	sand.u32 @!p0 $0x1FFFF800, s0;
	[tilespmem:v15+s20+$0x0] =	vst.idx.msk $0xffff, v14  }
0x1fc: {  	[hbm4b:s31+s4] =	stream.linear.scatter [tilespmem:s20], [sflag:$0x3], $0x8000, $0x38;
	[tilespmem:$0x14080] =	vst v63  }
0x1fd: {  	s3 =	simm.s32 @!p0 $0x80;
	s2 =	simm.s32 @!p0 $0x0;
	s0 =	sadd.s32 @!p0 s1, s0  }
0x1fe: {  	[tilespmem:s3], [sflag:$0x1] =	stream.linear.gather @!p0 [hbm4b:s0+s2], $0x2000, $0x38;
	[tilespmem:$0x14080] =	vst v63  }
0x1ff: {  	_ =	swait.ge [sflag:s21], $0x2000  }
0x200: {  	[sflag:s21] =	ssyncset.done $0x0  }
0x201: {  	[sflag:s21] =	ssyncadd.s32 $0xFFFFE000  }
0x202: {  	_ =	swait.ge [sflag:s24], $0x8000  }
0x203: {  	[sflag:s24] =	ssyncset.done $0x0  }
0x204: {  	s29 =	simm.s32 $0x200;
	s30 =	simm.s32 $0xA00;
	[sflag:s24] =	ssyncadd.s32 $0xFFFF8000  }
0x205: {  	v10 =	vadd.s32 s30, v1;
	s31 =	simm.s32 $0x600;
	v9 =	vld [tilespmem:s29+$0x2100]  }
0x206: {  	s12 =	simm.s32 $0xC00;
	v14 =	vadd.s32 s31, v1;
	v13 =	vld [tilespmem:s29+$0x2000]  }
0x207: {  	v12 =	vadd.s32 s12, v1;
	v11 =	vld [tilespmem:s29+$0x2180]  }
0x208: {  	s8 =	simm.s32 $0x800  }
0x209: {  	s16 =	simm.s32 $0xE00;
	v18 =	vadd.s32 s8, v1;
	v17 =	vld [tilespmem:s29+$0x2080]  }
0x20a: {  	s0 =	simm.s32 $0x200;
	v15 =	vld [tilespmem:s29+$0x2200];
	[tilespmem:v10+s22+$0x0] =	vst.idx.msk $0xffff, v9;
	v9 =	vadd.s32 s16, v1  }
0x20b: {  	v20 =	vadd.s32 s0, v1;
	[tilespmem:v14+s22+$0x0] =	vst.idx.msk $0xffff, v13;
	v13 =	vld [tilespmem:s29+$0x1F00]  }
0x20c: {  	v16 =	vadd.s32 s30, v2;
	[tilespmem:v12+s22+$0x0] =	vst.idx.msk $0xffff, v11;
	v10 =	vld [tilespmem:s29+$0x2110]  }
0x20d: {  	v12 =	vadd.s32 s12, v2;
	v19 =	vld [tilespmem:s29+$0x2190]  }
0x20e: {  	v14 =	vadd.s32 s31, v2;
	[tilespmem:v18+s22+$0x0] =	vst.idx.msk $0xffff, v17;
	v21 =	vld [tilespmem:s29+$0x2010]  }
0x20f: {  	s3 =	simm.s32 $0x400;
	v18 =	vadd.s32 s8, v2;
	v17 =	vld [tilespmem:s29+$0x2090];
	[tilespmem:v9+s22+$0x0] =	vst.idx.msk $0xffff, v15  }
0x210: {  	s2 =	simm.s32 $0x0;
	v9 =	vadd.s32 s3, v1;
	v15 =	vld [tilespmem:s29+$0x1F80];
	[tilespmem:v20+s22+$0x0] =	vst.idx.msk $0xffff, v13  }
0x211: {  	v11 =	vld [tilespmem:s29+$0x1E80];
	[tilespmem:v16+s22+$0x0] =	vst.idx.msk $0xffff, v10;
	v10 =	vadd.s32 s2, v1  }
0x212: {  	v16 =	vld [tilespmem:s29+$0x2210];
	[tilespmem:v12+s22+$0x0] =	vst.idx.msk $0xffff, v19;
	v12 =	vadd.s32 s16, v2  }
0x213: {  	v20 =	vadd.s32 s0, v2;
	[tilespmem:v14+s22+$0x0] =	vst.idx.msk $0xffff, v21;
	v21 =	vld [tilespmem:s29+$0x1F10]  }
0x214: {  	v14 =	vadd.s32 s12, v3;
	[tilespmem:v18+s22+$0x0] =	vst.idx.msk $0xffff, v17;
	v13 =	vld [tilespmem:s29+$0x21A0]  }
0x215: {  	v18 =	vadd.s32 s8, v3;
	v17 =	vld [tilespmem:s29+$0x20A0];
	[tilespmem:v9+s22+$0x0] =	vst.idx.msk $0xffff, v15  }
0x216: {  	v9 =	vld [tilespmem:s29+$0x2020];
	[tilespmem:v10+s22+$0x0] =	vst.idx.msk $0xffff, v11;
	v10 =	vadd.s32 s31, v3  }
0x217: {  	v11 =	vadd.s32 s3, v2;
	v15 =	vld [tilespmem:s29+$0x1F90];
	[tilespmem:v12+s22+$0x0] =	vst.idx.msk $0xffff, v16  }
0x218: {  	v19 =	vld [tilespmem:s29+$0x2120];
	[tilespmem:v20+s22+$0x0] =	vst.idx.msk $0xffff, v21  }
0x219: {  	v16 =	vadd.s32 s2, v2;
	v12 =	vld [tilespmem:s29+$0x1E90];
	[tilespmem:v14+s22+$0x0] =	vst.idx.msk $0xffff, v13  }
0x21a: {  	v13 =	vld [tilespmem:s29+$0x2220];
	[tilespmem:v18+s22+$0x0] =	vst.idx.msk $0xffff, v17;
	v18 =	vadd.s32 s30, v3  }
0x21b: {  	v14 =	vadd.s32 s16, v3;
	v20 =	vld [tilespmem:s29+$0x21B0];
	[tilespmem:v10+s22+$0x0] =	vst.idx.msk $0xffff, v9  }
0x21c: {  	v9 =	vadd.s32 s12, v4;
	[tilespmem:v11+s22+$0x0] =	vst.idx.msk $0xffff, v15;
	v10 =	vld [tilespmem:s29+$0x2030]  }
0x21d: {  	v11 =	vadd.s32 s31, v4;
	v15 =	vld [tilespmem:s29+$0x1FA0]  }
0x21e: {  	v21 =	vadd.s32 s3, v3;
	[tilespmem:v16+s22+$0x0] =	vst.idx.msk $0xffff, v12;
	v12 =	vld [tilespmem:s29+$0x20B0]  }
0x21f: {  	v16 =	vadd.s32 s8, v4;
	[tilespmem:v18+s22+$0x0] =	vst.idx.msk $0xffff, v19;
	v17 =	vld [tilespmem:s29+$0x1EA0]  }
0x220: {  	[tilespmem:v14+s22+$0x0] =	vst.idx.msk $0xffff, v13;
	v13 =	vadd.s32 s2, v3;
	v18 =	vld [tilespmem:s29+$0x2130]  }
0x221: {  	v19 =	vadd.s32 s30, v4;
	[tilespmem:v9+s22+$0x0] =	vst.idx.msk $0xffff, v20;
	v9 =	vld [tilespmem:s29+$0x2230]  }
0x222: {  	[tilespmem:v11+s22+$0x0] =	vst.idx.msk $0xffff, v10;
	v10 =	vld [tilespmem:s29+$0x21C0];
	v11 =	vadd.s32 s16, v4  }
0x223: {  	[tilespmem:v21+s22+$0x0] =	vst.idx.msk $0xffff, v15;
	v15 =	vadd.s32 s12, v5;
	v14 =	vld [tilespmem:s29+$0x2040]  }
0x224: {  	v21 =	vadd.s32 s3, v4;
	[tilespmem:v16+s22+$0x0] =	vst.idx.msk $0xffff, v12;
	v20 =	vld [tilespmem:s29+$0x1FB0]  }
0x225: {  	v16 =	vadd.s32 s8, v5;
	v12 =	vld [tilespmem:s29+$0x20C0];
	[tilespmem:v13+s22+$0x0] =	vst.idx.msk $0xffff, v17  }
0x226: {  	v13 =	vld [tilespmem:s29+$0x1F20];
	v17 =	vadd.s32 s0, v3;
	[tilespmem:v19+s22+$0x0] =	vst.idx.msk $0xffff, v18  }
0x227: {  	v19 =	vld [tilespmem:s29+$0x2140];
	[tilespmem:v11+s22+$0x0] =	vst.idx.msk $0xffff, v9;
	v11 =	vadd.s32 s31, v5  }
0x228: {  	[tilespmem:v15+s22+$0x0] =	vst.idx.msk $0xffff, v10;
	v15 =	vadd.s32 s16, v5;
	v10 =	vld [tilespmem:s29+$0x2240]  }
0x229: {  	v9 =	vld [tilespmem:s29+$0x1EB0];
	[tilespmem:v21+s22+$0x0] =	vst.idx.msk $0xffff, v20;
	v20 =	vadd.s32 s2, v4  }
0x22a: {  	[tilespmem:v16+s22+$0x0] =	vst.idx.msk $0xffff, v12;
	v12 =	vld [tilespmem:s29+$0x21D0];
	v16 =	vadd.s32 s12, v6  }
0x22b: {  	[tilespmem:v17+s22+$0x0] =	vst.idx.msk $0xffff, v13;
	v17 =	vadd.s32 s3, v5;
	v13 =	vld [tilespmem:s29+$0x1FC0]  }
0x22c: {  	v21 =	vld [tilespmem:s29+$0x20D0];
	[tilespmem:v11+s22+$0x0] =	vst.idx.msk $0xffff, v14;
	v11 =	vadd.s32 s8, v6  }
0x22d: {  	v18 =	vld [tilespmem:s29+$0x1F30];
	v14 =	vadd.s32 s0, v4;
	[tilespmem:v15+s22+$0x0] =	vst.idx.msk $0xffff, v10  }
0x22e: {  	[tilespmem:v20+s22+$0x0] =	vst.idx.msk $0xffff, v9;
	v10 =	vadd.s32 s16, v6;
	v9 =	vld [tilespmem:s29+$0x2250]  }
0x22f: {  	v20 =	vadd.s32 s2, v5;
	[tilespmem:v16+s22+$0x0] =	vst.idx.msk $0xffff, v12;
	v15 =	vld [tilespmem:s29+$0x1EC0]  }
0x230: {  	v16 =	vadd.s32 s12, v7;
	[tilespmem:v17+s22+$0x0] =	vst.idx.msk $0xffff, v13;
	v13 =	vld [tilespmem:s29+$0x21E0]  }
0x231: {  	v17 =	vadd.s32 s30, v5;
	v12 =	vld [tilespmem:s29+$0x1FD0];
	[tilespmem:v11+s22+$0x0] =	vst.idx.msk $0xffff, v21  }
0x232: {  	[tilespmem:v14+s22+$0x0] =	vst.idx.msk $0xffff, v18;
	v18 =	vadd.s32 s8, v7;
	v14 =	vld [tilespmem:s29+$0x20E0]  }
0x233: {  	v22 =	vadd.s32 s0, v5;
	v21 =	vld [tilespmem:s29+$0x1F40];
	[tilespmem:v10+s22+$0x0] =	vst.idx.msk $0xffff, v9  }
0x234: {  	s7 =	sadd.s32 s28, s5;
	v11 =	vld [tilespmem:s29+$0x2050];
	[tilespmem:v20+s22+$0x0] =	vst.idx.msk $0xffff, v15  }
0x235: {  	s7 =	sshll.u32 s7, $0x6;
	[tilespmem:v16+s22+$0x0] =	vst.idx.msk $0xffff, v13;
	v20 =	vadd.s32 s2, v6;
	v15 =	vld [tilespmem:s29+$0x1ED0]  }
0x236: {  	s7 =	sadd.s32 $0x1000, s7;
	[tilespmem:v17+s22+$0x0] =	vst.idx.msk $0xffff, v19;
	v19 =	vadd.s32 s16, v7;
	v16 =	vld [tilespmem:s29+$0x2260]  }
0x237: {  	s7 =	sand.u32 $0x1FFFF000, s7;
	v13 =	vld [tilespmem:s29+$0x21F0];
	[tilespmem:v18+s22+$0x0] =	vst.idx.msk $0xffff, v14;
	v14 =	vadd.s32 s12, v8  }
0x238: {  	s11 =	simm.s32 $0x0;
	s10 =	sadd.s32 s6, s7;
	v9 =	vadd.s32 s3, v6;
	v17 =	vld [tilespmem:s29+$0x2150];
	[tilespmem:v22+s22+$0x0] =	vst.idx.msk $0xffff, v21;
	v18 =	vadd.s32 s30, v6;
	s12 =	simm.s32 $0x1800  }
.LBB2_13:
0x239: {  	s7 =	sadd.s32 $0xFFFFF800, s12;
	s18 =	sshra.s32 s12, $0x2;
	s11 =	sadd.s32 $0x8, s11;
	v21 =	vld [tilespmem:s29+$0x1F50]  }
0x23a: {  	s25 =	sadd.s32 $0xFFFFFA00, s12;
	v10 =	vadd.s32 s7, v1;
	p1 =	slt.u32 s11, $0x38;
	[tilespmem:v20+s22+$0x0] =	vst.idx.msk $0xffff, v15;
	v15 =	vadd.s32 s0, v6;
	v20 =	vld [tilespmem:s29+$0x20F0]  }
0x23b: {  	s14 =	sadd.s32 $0xFFFFFC00, s12;
	v24 =	vadd.s32 s8, v8;
	s8 =	smov.u32 s12;
	v22 =	vadd.s32 s25, v1;
	v23 =	vld [tilespmem:s18+$0x2100];
	[tilespmem:v19+s22+$0x0] =	vst.idx.msk $0xffff, v16  }
0x23c: {  	s17 =	sadd.s32 $0xFFFFFE00, s12;
	v16 =	vadd.s32 s14, v1;
	v19 =	vadd.s32 s14, v6;
	[tilespmem:v14+s22+$0x0] =	vst.idx.msk $0xffff, v13;
	v13 =	vld [tilespmem:s29+$0x2270];
	v14 =	vadd.s32 s16, v8  }
0x23d: {  	v27 =	vadd.s32 s31, v6;
	v25 =	vadd.s32 s17, v1;
	v26 =	vld [tilespmem:s18+$0x2180];
	[tilespmem:v18+s22+$0x0] =	vst.idx.msk $0xffff, v17  }
0x23e: {  	s1 =	sadd.s32 $0x200, s12;
	v31 =	vadd.s32 s0, v7;
	v18 =	vadd.s32 s12, v1;
	v17 =	vld [tilespmem:s18+$0x2000];
	[tilespmem:v9+s22+$0x0] =	vst.idx.msk $0xffff, v12;
	v9 =	vmov v19  }
0x23f: {  	s15 =	sadd.s32 $0x400, s12;
	v12 =	vadd.s32 s1, v1;
	v19 =	vadd.s32 s3, v7;
	[tilespmem:v15+s22+$0x0] =	vst.idx.msk $0xffff, v21;
	v15 =	vld [tilespmem:s29+$0x1FE0]  }
0x240: {  	s16 =	sadd.s32 $0x600, s12;
	v21 =	vadd.s32 s15, v1;
	[tilespmem:v24+s22+$0x0] =	vst.idx.msk $0xffff, v20;
	v20 =	vld [tilespmem:s29+$0x2160];
	v24 =	vadd.s32 s30, v7  }
0x241: {  	v28 =	vadd.s32 s25, v2;
	v29 =	vadd.s32 s16, v1;
	v30 =	vld [tilespmem:s29+$0x1F60];
	[tilespmem:v14+s22+$0x0] =	vst.idx.msk $0xffff, v13  }
0x242: {  	v32 =	vadd.s32 s2, v7;
	v13 =	vadd.s32 s14, v2;
	v14 =	vld [tilespmem:s29+$0x1EE0];
	[tilespmem:v27+s22+$0x0] =	vst.idx.msk $0xffff, v11  }
0x243: {  	v11 =	vadd.s32 s17, v2;
	[tilespmem:v25+s22+$0x0] =	vst.idx.msk $0xffff, v17;
	v17 =	vld [tilespmem:s29+$0x2060];
	v25 =	vadd.s32 s31, v7  }
0x244: {  	v27 =	vld [tilespmem:s18+$0x2200];
	[tilespmem:v19+s22+$0x0] =	vst.idx.msk $0xffff, v15  }
0x245: {  	v33 =	vadd.s32 s3, v8;
	s3 =	smov.u32 s14;
	v15 =	vadd.s32 s1, v2;
	v19 =	vld [tilespmem:s29+$0x1FF0];
	[tilespmem:v24+s22+$0x0] =	vst.idx.msk $0xffff, v20  }
0x246: {  	v20 =	vadd.s32 s15, v2;
	[tilespmem:v31+s22+$0x0] =	vst.idx.msk $0xffff, v30;
	v24 =	vld [tilespmem:s29+$0x2170]  }
0x247: {  	v30 =	vadd.s32 s16, v2;
	v31 =	vadd.s32 s30, v8;
	s30 =	smov.u32 s1;
	[tilespmem:v32+s22+$0x0] =	vst.idx.msk $0xffff, v14;
	v14 =	vld [tilespmem:s29+$0x1F70]  }
0x248: {  	v34 =	vadd.s32 s0, v8;
	s0 =	smov.u32 s25;
	v32 =	vld [tilespmem:s29+$0x1EF0];
	[tilespmem:v25+s22+$0x0] =	vst.idx.msk $0xffff, v17  }
0x249: {  	[tilespmem:v12+s22+$0x0] =	vst.idx.msk $0xffff, v23;
	v12 =	vld [tilespmem:s29+$0x2070];
	s29 =	smov.u32 s18  }
0x24a: {  	v23 =	vadd.s32 s2, v8;
	s2 =	smov.u32 s7;
	v17 =	vld [tilespmem:s29+$0x2110];
	[tilespmem:v33+s22+$0x0] =	vst.idx.msk $0xffff, v19;
	v19 =	vadd.s32 s31, v8;
	s31 =	smov.u32 s17  }
0x24b: {  	v25 =	vld [tilespmem:s29+$0x2080];
	[tilespmem:v21+s22+$0x0] =	vst.idx.msk $0xffff, v26  }
0x24c: {  	v21 =	vld [tilespmem:s29+$0x1E80];
	[tilespmem:v31+s22+$0x0] =	vst.idx.msk $0xffff, v24  }
0x24d: {  	v24 =	vld [tilespmem:s29+$0x2010];
	[tilespmem:v34+s22+$0x0] =	vst.idx.msk $0xffff, v14  }
0x24e: {  	v14 =	vld [tilespmem:s29+$0x2190];
	[tilespmem:v29+s22+$0x0] =	vst.idx.msk $0xffff, v27  }
0x24f: {  	v26 =	vld [tilespmem:s29+$0x1F00];
	[tilespmem:v19+s22+$0x0] =	vst.idx.msk $0xffff, v12  }
0x250: {  	v12 =	vld [tilespmem:s29+$0x2210];
	[tilespmem:v23+s22+$0x0] =	vst.idx.msk $0xffff, v32  }
0x251: {  	v19 =	vld [tilespmem:s29+$0x1F80];
	[tilespmem:v15+s22+$0x0] =	vst.idx.msk $0xffff, v17  }
0x252: {  	[tilespmem:v18+s22+$0x0] =	vst.idx.msk $0xffff, v25;
	v15 =	vld [tilespmem:s29+$0x2120]  }
0x253: {  	v18 =	vadd.s32 s12, v2;
	v17 =	vld [tilespmem:s29+$0x2090];
	[tilespmem:v20+s22+$0x0] =	vst.idx.msk $0xffff, v14  }
0x254: {  	[tilespmem:v22+s22+$0x0] =	vst.idx.msk $0xffff, v26;
	v14 =	vld [tilespmem:s29+$0x21A0]  }
0x255: {  	v20 =	vld [tilespmem:s29+$0x1F10];
	[tilespmem:v11+s22+$0x0] =	vst.idx.msk $0xffff, v24;
	v11 =	vadd.s32 s15, v3  }
0x256: {  	[tilespmem:v16+s22+$0x0] =	vst.idx.msk $0xffff, v19;
	v16 =	vld [tilespmem:s29+$0x2020]  }
0x257: {  	v19 =	vadd.s32 s31, v3;
	[tilespmem:v10+s22+$0x0] =	vst.idx.msk $0xffff, v21;
	v10 =	vld [tilespmem:s29+$0x1F90]  }
0x258: {  	v21 =	vld [tilespmem:s29+$0x1E90];
	[tilespmem:v18+s22+$0x0] =	vst.idx.msk $0xffff, v17  }
0x259: {  	v18 =	vadd.s32 s12, v3;
	v17 =	vld [tilespmem:s29+$0x20A0];
	[tilespmem:v30+s22+$0x0] =	vst.idx.msk $0xffff, v12  }
0x25a: {  	v12 =	vadd.s32 s2, v2;
	[tilespmem:v11+s22+$0x0] =	vst.idx.msk $0xffff, v14;
	v11 =	vld [tilespmem:s29+$0x2220]  }
0x25b: {  	[tilespmem:v28+s22+$0x0] =	vst.idx.msk $0xffff, v20;
	v14 =	vld [tilespmem:s29+$0x21B0];
	v20 =	vadd.s32 s16, v3  }
0x25c: {  	[tilespmem:v19+s22+$0x0] =	vst.idx.msk $0xffff, v16;
	v16 =	vadd.s32 s15, v4  }
0x25d: {  	[tilespmem:v13+s22+$0x0] =	vst.idx.msk $0xffff, v10;
	v10 =	vld [tilespmem:s29+$0x2030];
	v13 =	vadd.s32 s31, v4  }
0x25e: {  	v22 =	vadd.s32 s3, v3;
	v19 =	vld [tilespmem:s29+$0x1FA0];
	[tilespmem:v18+s22+$0x0] =	vst.idx.msk $0xffff, v17  }
0x25f: {  	v17 =	vadd.s32 s12, v4;
	[tilespmem:v12+s22+$0x0] =	vst.idx.msk $0xffff, v21;
	v12 =	vld [tilespmem:s29+$0x20B0]  }
0x260: {  	v21 =	vadd.s32 s30, v3;
	v18 =	vld [tilespmem:s29+$0x1EA0];
	[tilespmem:v20+s22+$0x0] =	vst.idx.msk $0xffff, v11  }
0x261: {  	v11 =	vadd.s32 s2, v3;
	[tilespmem:v16+s22+$0x0] =	vst.idx.msk $0xffff, v14;
	v14 =	vld [tilespmem:s29+$0x2230]  }
0x262: {  	[tilespmem:v13+s22+$0x0] =	vst.idx.msk $0xffff, v10;
	v10 =	vld [tilespmem:s29+$0x21C0];
	v13 =	vadd.s32 s16, v4  }
0x263: {  	[tilespmem:v22+s22+$0x0] =	vst.idx.msk $0xffff, v19;
	v16 =	vld [tilespmem:s29+$0x2040];
	v19 =	vadd.s32 s15, v5  }
0x264: {  	v22 =	vadd.s32 s3, v4;
	v20 =	vld [tilespmem:s29+$0x1FB0];
	[tilespmem:v17+s22+$0x0] =	vst.idx.msk $0xffff, v12  }
0x265: {  	v17 =	vadd.s32 s12, v5;
	v12 =	vld [tilespmem:s29+$0x20C0];
	[tilespmem:v21+s22+$0x0] =	vst.idx.msk $0xffff, v15  }
0x266: {  	v15 =	vadd.s32 s0, v3;
	[tilespmem:v11+s22+$0x0] =	vst.idx.msk $0xffff, v18;
	v11 =	vld [tilespmem:s29+$0x1F20]  }
0x267: {  	v21 =	vadd.s32 s30, v4;
	v18 =	vld [tilespmem:s29+$0x2130];
	[tilespmem:v13+s22+$0x0] =	vst.idx.msk $0xffff, v14  }
0x268: {  	v14 =	vadd.s32 s31, v5;
	v13 =	vld [tilespmem:s29+$0x1EB0];
	[tilespmem:v19+s22+$0x0] =	vst.idx.msk $0xffff, v10  }
0x269: {  	v19 =	vadd.s32 s16, v5;
	[tilespmem:v22+s22+$0x0] =	vst.idx.msk $0xffff, v20;
	v10 =	vld [tilespmem:s29+$0x2240]  }
0x26a: {  	v20 =	vadd.s32 s2, v4;
	[tilespmem:v17+s22+$0x0] =	vst.idx.msk $0xffff, v12;
	v12 =	vld [tilespmem:s29+$0x21D0]  }
0x26b: {  	[tilespmem:v15+s22+$0x0] =	vst.idx.msk $0xffff, v11;
	v11 =	vld [tilespmem:s29+$0x1FC0];
	v15 =	vadd.s32 s15, v6  }
0x26c: {  	v17 =	vadd.s32 s3, v5;
	v22 =	vld [tilespmem:s29+$0x20D0];
	[tilespmem:v21+s22+$0x0] =	vst.idx.msk $0xffff, v18  }
0x26d: {  	v18 =	vld [tilespmem:s29+$0x1F30];
	[tilespmem:v14+s22+$0x0] =	vst.idx.msk $0xffff, v16;
	v14 =	vadd.s32 s12, v6  }
0x26e: {  	v16 =	vadd.s32 s0, v4;
	v21 =	vld [tilespmem:s29+$0x2140];
	[tilespmem:v19+s22+$0x0] =	vst.idx.msk $0xffff, v10  }
0x26f: {  	[tilespmem:v20+s22+$0x0] =	vst.idx.msk $0xffff, v13;
	v10 =	vld [tilespmem:s29+$0x2250];
	v13 =	vadd.s32 s16, v6  }
0x270: {  	v20 =	vadd.s32 s2, v5;
	v19 =	vld [tilespmem:s29+$0x1EC0];
	[tilespmem:v15+s22+$0x0] =	vst.idx.msk $0xffff, v12  }
0x271: {  	v23 =	vadd.s32 s15, v7;
	[tilespmem:v17+s22+$0x0] =	vst.idx.msk $0xffff, v11;
	v17 =	vld [tilespmem:s29+$0x21E0]  }
0x272: {  	v12 =	vld [tilespmem:s29+$0x1FD0];
	[tilespmem:v14+s22+$0x0] =	vst.idx.msk $0xffff, v22;
	v14 =	vadd.s32 s30, v5  }
0x273: {  	v22 =	vadd.s32 s12, v7;
	[tilespmem:v16+s22+$0x0] =	vst.idx.msk $0xffff, v18;
	v18 =	vld [tilespmem:s29+$0x20E0]  }
0x274: {  	v25 =	vadd.s32 s0, v5;
	v24 =	vld [tilespmem:s29+$0x1F40];
	[tilespmem:v13+s22+$0x0] =	vst.idx.msk $0xffff, v10  }
.Ltmp7:
0x275: {  	[tilespmem:v20+s22+$0x0] =	vst.idx.msk $0xffff, v19;
	v11 =	vld [tilespmem:s29+$0x2050];
	(pc) =	sbr.rel @p1 .LBB2_13-.Ltmp7, $4  }
0x276: {  	v20 =	vadd.s32 s2, v6;
	v15 =	vld [tilespmem:s29+$0x1ED0];
	[tilespmem:v23+s22+$0x0] =	vst.idx.msk $0xffff, v17  }
0x277: {  	v19 =	vadd.s32 s16, v7;
	[tilespmem:v14+s22+$0x0] =	vst.idx.msk $0xffff, v21;
	v16 =	vld [tilespmem:s29+$0x2260]  }
0x278: {  	v14 =	vadd.s32 s15, v8;
	[tilespmem:v22+s22+$0x0] =	vst.idx.msk $0xffff, v18;
	v13 =	vld [tilespmem:s29+$0x21F0]  }
0x279: {  	s12 =	sadd.s32 $0x1000, s12;
	v18 =	vadd.s32 s30, v6;
	[tilespmem:v25+s22+$0x0] =	vst.idx.msk $0xffff, v24;
	v17 =	vld [tilespmem:s29+$0x2150]  }
0x27a: {  	_ =	sdelay $0x3  }
0x27b: {  	v10 =	vld [tilespmem:s29+$0x1F50];
	v21 =	vadd.s32 s0, v6;
	[tilespmem:v9+s22+$0x0] =	vst.idx.msk $0xffff, v12  }
0x27c: {  	v47 =	vadd.s32 s31, v6;
	[tilespmem:v20+s22+$0x0] =	vst.idx.msk $0xffff, v15  }
0x27d: {  	v48 =	vld [tilespmem:s29+$0x20F0];
	v49 =	vadd.s32 s8, v8;
	[tilespmem:v19+s22+$0x0] =	vst.idx.msk $0xffff, v16  }
0x27e: {  	v50 =	vadd.s32 s3, v7;
	v9 =	vld [tilespmem:s29+$0x1FE0];
	[tilespmem:v14+s22+$0x0] =	vst.idx.msk $0xffff, v13  }
0x27f: {  	v56 =	vadd.s32 s2, v7;
	v55 =	vld [tilespmem:s29+$0x1EE0];
	[tilespmem:v18+s22+$0x0] =	vst.idx.msk $0xffff, v17  }
0x280: {  	v51 =	vadd.s32 s30, v7;
	[tilespmem:v21+s22+$0x0] =	vst.idx.msk $0xffff, v10;
	v10 =	vld [tilespmem:s29+$0x2160]  }
0x281: {  	v53 =	vadd.s32 s0, v7;
	[tilespmem:v47+s22+$0x0] =	vst.idx.msk $0xffff, v11;
	v52 =	vld [tilespmem:s29+$0x1F60]  }
0x282: {  	v54 =	vadd.s32 s31, v7;
	[tilespmem:v49+s22+$0x0] =	vst.idx.msk $0xffff, v48;
	v11 =	vld [tilespmem:s29+$0x2060]  }
0x283: {  	v58 =	vadd.s32 s16, v8;
	v57 =	vld [tilespmem:s29+$0x2270];
	[tilespmem:v50+s22+$0x0] =	vst.idx.msk $0xffff, v9  }
0x284: {  	v59 =	vadd.s32 s3, v8;
	v9 =	vld [tilespmem:s29+$0x1FF0];
	[tilespmem:v56+s22+$0x0] =	vst.idx.msk $0xffff, v55  }
0x285: {  	v63 =	vadd.s32 s2, v8;
	v14 =	vld [tilespmem:s29+$0x1EF0];
	[tilespmem:v51+s22+$0x0] =	vst.idx.msk $0xffff, v10  }
0x286: {  	v60 =	vadd.s32 s30, v8;
	[tilespmem:v53+s22+$0x0] =	vst.idx.msk $0xffff, v52;
	v10 =	vld [tilespmem:s29+$0x2170]  }
0x287: {  	v61 =	vadd.s32 s0, v8;
	[tilespmem:v54+s22+$0x0] =	vst.idx.msk $0xffff, v11;
	v18 =	vld [tilespmem:s29+$0x1F70]  }
0x288: {  	v62 =	vadd.s32 s31, v8;
	[tilespmem:v58+s22+$0x0] =	vst.idx.msk $0xffff, v57;
	v11 =	vld [tilespmem:s29+$0x2070]  }
0x289: {  	[tilespmem:v59+s22+$0x0] =	vst.idx.msk $0xffff, v9  }
.Ltmp8:
0x28a: {  	[tilespmem:v63+s22+$0x0] =	vst.idx.msk $0xffff, v14;
	(pc) =	sbr.rel @p0 .LBB2_16-.Ltmp8, $4  }
0x28b: {  	[tilespmem:v60+s22+$0x0] =	vst.idx.msk $0xffff, v10  }
0x28c: {  	[tilespmem:v61+s22+$0x0] =	vst.idx.msk $0xffff, v18  }
0x28d: {  	[tilespmem:v62+s22+$0x0] =	vst.idx.msk $0xffff, v11  }
0x28e: {  	[hbm4b:s10+s4] =	stream.linear.scatter [tilespmem:s22], [sflag:$0x4], $0x8000, $0x38;
	[tilespmem:$0x14080] =	vst v63  }
0x28f: {  	s0 =	rddreg [dreg:$0x9]  }
.Ltmp9:
0x290: {  	s0 =	sadd.s32 s28, s0;
	(pc) =	sbr.rel .LBB2_10-.Ltmp9, $4  }
0x291: {  	s0 =	sshll.u32 s0, $0x4  }
0x292: {  	s1 =	rddreg [dreg:$0x0];
	s0 =	sand.u32 $0x1FFFFC00, s0  }
0x293: {  	s31 =	simm.s32 $0x2080;
	s26 =	sadd.s32 $0x1, s26;
	s0 =	sadd.s32 s1, s0  }
0x294: {  	[tilespmem:s31], [sflag:$0x2] =	stream.linear.gather [hbm4b:s0+s4], $0x2000, $0x38;
	[tilespmem:$0x14080] =	vst v63  }
.LBB2_17:
0x295: {  	_ =	sfence.sel $0x180000  }
0x296: {  	[bflag:$0x0] =	sbarrier.arrive $0xFFFF  }
0x297: {  	_ =	strace $0x90000047  }
0x298: {  	s0 =	stileid.u32;
	[bflag:$0x2] =	sbarrier.arrive $0xFFFF  }
0x299: {  	p0 =	sne.s32 s0, $0x0;
	s0 =	rddreg [dreg:$0x3]  }
0x29a: {  	s0 =	sadd.s32 @!p0 $0x100000, s0  }
0x29b: {  	[sflag:s0] =	ssyncadd.tile.s32 @!p0 $0x1;
	_ =	shalt  }
.Lfunc_end2:
_tile_overlayer_lowered:
.L_overlay_start_2:
0x29c: {  	(tag) =	ssettag $0x2  }
0x29d: {  	s0 =	rddreg [dreg:$0x0];
	s2 =	stileid.u32  }
0x29e: {  	s1 =	rddreg [dreg:$0x1];
	p0 =	sne.s32 s2, $0x0  }
0x29f: {  	s3 =	rddreg [dreg:$0x2];
	[bflag:$0x3] =	sbarrier.arrive $0xFFFF;
	s2 =	simm.s32 @!p0 $0x1C05  }
0x2a0: {  	[timem:s3], [sflag:s2] =	dma.local @!p0 [hbm:s0], s1  }
0x2a1: {  	s0 =	simm.s32 @!p0 $0x5  }
0x2a2: {  	_ =	swait.ge @!p0 [sflag:s0], s1  }
0x2a3: {  	s1 =	ssub.s32 @!p0 $0x0, s1;
	[sflag:s0] =	ssyncset.done @!p0 $0x0  }
0x2a4: {  	[sflag:s0] =	ssyncadd.s32 @!p0 s1  }
0x2a5: {  	[bflag:$0x3] =	sbarrier.arrive $0xFFFF  }
0x2a6: {  	_ =	shalt  }

</sc_bundles>
